<compile_context>
chip_gen: v7x
topology: tpu7x:2x2x1
jax: 0.10.2.dev20260603
libtpu: 0.0.44.dev20260713+nightly
codegen_flags: <defaults>
</compile_context>

<pallas_src>
import functools

import jax
import jax.numpy as jnp
from jax import lax
from jax.experimental import pallas as pl
from jax.experimental.pallas import tpu as pltpu
from jax.experimental.pallas import tpu_sc as plsc

NUM_CATEGORIES = 100000
D = 128
B = 16384
LANES = 16
VPR = D // LANES

_info = plsc.get_sparse_core_info()
NC, NS = _info.num_cores, _info.num_subcores
NW = NC * NS
B_PER_W = B // NW
CHUNK = 128
NCHUNKS = B_PER_W // CHUNK


def _rsqrt_vec(ss):
    i = lax.bitcast_convert_type(ss, jnp.int32)
    i = jnp.full((LANES,), 0x5F3759DF, jnp.int32) - lax.shift_right_logical(i, 1)
    y = lax.bitcast_convert_type(i, jnp.float32)
    half = ss * 0.5
    for _ in range(1):
        y = y * (1.5 - half * y * y)
    return y


_GATHER_DNUMS = lax.GatherDimensionNumbers(
    offset_dims=(), collapsed_slice_dims=(0,), start_index_map=(0,)
)


def _shuffle(v, idx):
    return lax.gather(
        v, idx[:, None], _GATHER_DNUMS, (1,),
        mode=lax.GatherScatterMode.PROMISE_IN_BOUNDS,
    )


def _lane_sum(v):
    iota = lax.iota(jnp.int32, LANES)
    for k in (8, 4, 2, 1):
        v = v + _shuffle(v, iota ^ k)
    return v


def _normalize_chunk(buf):
    @plsc.parallel_loop(0, CHUNK, step=1, unroll=4)
    def row(i):
        acc = jnp.zeros((LANES,), jnp.float32)
        vs = []
        for j in range(VPR):
            v = buf[i, pl.ds(j * LANES, LANES)]
            vs.append(v)
            acc = acc + v * v
        ss = _lane_sum(acc)
        inv = _rsqrt_vec(ss)
        for j in range(VPR):
            buf[i, pl.ds(j * LANES, LANES)] = vs[j] * inv


def _sc_body(x_hbm, table_hbm, out_hbm, idx_v, *bufs_and_sems):
    bufs = bufs_and_sems[:NCHUNKS]
    gsems = bufs_and_sems[NCHUNKS:2 * NCHUNKS]
    wsems = bufs_and_sems[2 * NCHUNKS:]
    wid = lax.axis_index("s") * NC + lax.axis_index("c")
    base = wid * B_PER_W
    pltpu.sync_copy(x_hbm.at[pl.ds(base, B_PER_W)], idx_v)
    gh = [
        pltpu.async_copy(
            table_hbm.at[idx_v.at[pl.ds(c * CHUNK, CHUNK)]], bufs[c], gsems[c])
        for c in range(NCHUNKS)
    ]
    wh = []
    for c in range(NCHUNKS):
        gh[c].wait()
        _normalize_chunk(bufs[c])
        wh.append(pltpu.async_copy(
            bufs[c], out_hbm.at[pl.ds(base + c * CHUNK, CHUNK)], wsems[c]))
    for h in wh:
        h.wait()


@jax.jit
def kernel(x, table):
    mesh = plsc.VectorSubcoreMesh(core_axis_name="c", subcore_axis_name="s")
    k = functools.partial(
        pl.kernel,
        mesh=mesh,
        out_type=jax.ShapeDtypeStruct((B, D), jnp.float32),
        scratch_types=(
            [pltpu.VMEM((B_PER_W,), jnp.int32)]
            + [pltpu.VMEM((CHUNK, D), jnp.float32)] * NCHUNKS
            + [pltpu.SemaphoreType.DMA] * (2 * NCHUNKS)
        ),
    )(_sc_body)
    return k(x.astype(jnp.int32), table)

# --- scband reference (transcript-rebuilt; emitter-appended) ---
"""Pipeline reference for scband-embedding-model-63642825392640 (READ-ONLY COPY).

The authoritative reference and input builder live on the scoring server;
editing this copy changes nothing except your own understanding.
"""

import jax, jax.numpy as jnp
import numpy as np

NUM_CATEGORIES = 100000
EMBEDDING_DIM = 128
BATCH = 16384

def setup_inputs(seed: int = 0) -> dict:
    key = jax.random.key(seed)
    k_idx, k_tab = jax.random.split(key)
    x = jax.random.randint(k_idx, (BATCH,), 0, NUM_CATEGORIES, dtype=jnp.int64 if jax.config.jax_enable_x64 else jnp.int32)
    table = jax.random.normal(k_tab, (NUM_CATEGORIES, EMBEDDING_DIM), dtype=jnp.float32)
    return {"x": x, "table": table}

def reference(x, table):
    # nn.Embedding lookup
    emb = jnp.take(table, x, axis=0)  # [B, D]
    # F.normalize(p=2, dim=1): divide by max(norm, eps) with eps=1e-12
    norm = jnp.linalg.norm(emb, ord=2, axis=1, keepdims=True)
    denom = jnp.maximum(norm, 1e-12)
    return emb / denom

if __name__ == "__main__":
    import jax
    _d = setup_inputs()
    print(jax.jit(kernel)(*tuple(_d.values())))

</pallas_src>

<mosaic_0001>
#map = affine_map<(d0, d1) -> (0)>
#map1 = affine_map<(d0, d1) -> (0, 0)>
module attributes {stable_mosaic.version = 14 : i64} {
  func.func @_sc_body(%arg0: i32, %arg1: i32, %arg2: memref<16384xi32, #tpu.memory_space<hbm>>, %arg3: memref<100000x128xf32, #tpu.memory_space<hbm>>, %arg4: memref<16384x128xf32, #tpu.memory_space<hbm>>, %arg5: memref<512xi32, #tpu.memory_space<vmem>>, %arg6: memref<128x128xf32, #tpu.memory_space<vmem>>, %arg7: memref<128x128xf32, #tpu.memory_space<vmem>>, %arg8: memref<128x128xf32, #tpu.memory_space<vmem>>, %arg9: memref<128x128xf32, #tpu.memory_space<vmem>>, %arg10: memref<!tpu.dma_semaphore, #tpu.memory_space<semaphore_mem>>, %arg11: memref<!tpu.dma_semaphore, #tpu.memory_space<semaphore_mem>>, %arg12: memref<!tpu.dma_semaphore, #tpu.memory_space<semaphore_mem>>, %arg13: memref<!tpu.dma_semaphore, #tpu.memory_space<semaphore_mem>>, %arg14: memref<!tpu.dma_semaphore, #tpu.memory_space<semaphore_mem>>, %arg15: memref<!tpu.dma_semaphore, #tpu.memory_space<semaphore_mem>>, %arg16: memref<!tpu.dma_semaphore, #tpu.memory_space<semaphore_mem>>, %arg17: memref<!tpu.dma_semaphore, #tpu.memory_space<semaphore_mem>>) attributes {dimension_semantics = [#tpu.dimension_semantics<core_parallel>, #tpu.dimension_semantics<subcore_parallel>], iteration_bounds = array<i64: 2, 16>, scalar_prefetch = 0 : i64, scratch_operands = 13 : i64, tpu.core_type = #tpu.core_type<sc_vector_subcore>, window_params = [{transform_indices = #map}, {transform_indices = #map1}, {transform_indices = #map1}]} {
    %mul3A = arith.constant 2 : i32
    %mul3A_0 = arith.muli %arg1, %mul3A : i32
    %add3A = arith.addi %mul3A_0, %arg0 : i32
    %mul3A_1 = arith.constant 512 : i32
    %mul3A_2 = arith.muli %add3A, %mul3A_1 : i32
    "tpu.region"() ({
      %run_scoped3A = tpu.sem_alloc : memref<!tpu.dma_semaphore, #tpu.memory_space<semaphore_mem>>
      %dma_start3A_92 = tpu.memref_slice %arg2[%mul3A_2] : memref<16384xi32, #tpu.memory_space<hbm>> -> memref<512xi32, #tpu.memory_space<hbm>>
      %dma_start3A_93 = tpu.memref_slice %arg2[%mul3A_2] : memref<16384xi32, #tpu.memory_space<hbm>> -> memref<512xi32, #tpu.memory_space<hbm>>
      tpu.enqueue_dma source(%dma_start3A_93 : memref<512xi32, #tpu.memory_space<hbm>>) target(%arg5 : memref<512xi32, #tpu.memory_space<vmem>>) target_semaphore(%run_scoped3A : memref<!tpu.dma_semaphore, #tpu.memory_space<semaphore_mem>>)
      %dma_wait3A_94 = tpu.memref_slice %arg2[%mul3A_2] : memref<16384xi32, #tpu.memory_space<hbm>> -> memref<512xi32, #tpu.memory_space<hbm>>
      %dma_wait3A_95 = tpu.memref_slice %arg2[%mul3A_2] : memref<16384xi32, #tpu.memory_space<hbm>> -> memref<512xi32, #tpu.memory_space<hbm>>
      tpu.wait_dma2 semaphore(%run_scoped3A : memref<!tpu.dma_semaphore, #tpu.memory_space<semaphore_mem>>) src(%dma_wait3A_95 : memref<512xi32, #tpu.memory_space<hbm>>) dst(%arg5 : memref<512xi32, #tpu.memory_space<vmem>>)
      tpu.yield
    }) : () -> ()
    %dma_start3A = arith.constant 0 : i32
    %dma_start3A_3 = tpu.memref_slice %arg5[%dma_start3A] : memref<512xi32, #tpu.memory_space<vmem>> -> memref<128xi32, #tpu.memory_space<vmem>>
    %dma_start3A_4 = arith.constant 0 : i32
    %dma_start3A_5 = arith.constant 0 : i32
    %dma_start3A_6 = tpu.memref_slice %arg3[%dma_start3A_4, %dma_start3A_5] : memref<100000x128xf32, #tpu.memory_space<hbm>> -> memref<100000x128xf32, #tpu.memory_space<hbm>>
    tpu.enqueue_indirect_dma source(%dma_start3A_6 : memref<100000x128xf32, #tpu.memory_space<hbm>>) target(%arg6 : memref<128x128xf32, #tpu.memory_space<vmem>>) offsets(%dma_start3A_3 : memref<128xi32, #tpu.memory_space<vmem>>) semaphore(%arg10 : memref<!tpu.dma_semaphore, #tpu.memory_space<semaphore_mem>>)
    %dma_start3A_7 = arith.constant 128 : i32
    %dma_start3A_8 = tpu.memref_slice %arg5[%dma_start3A_7] : memref<512xi32, #tpu.memory_space<vmem>> -> memref<128xi32, #tpu.memory_space<vmem>>
    %dma_start3A_9 = arith.constant 0 : i32
    %dma_start3A_10 = arith.constant 0 : i32
    %dma_start3A_11 = tpu.memref_slice %arg3[%dma_start3A_9, %dma_start3A_10] : memref<100000x128xf32, #tpu.memory_space<hbm>> -> memref<100000x128xf32, #tpu.memory_space<hbm>>
    tpu.enqueue_indirect_dma source(%dma_start3A_11 : memref<100000x128xf32, #tpu.memory_space<hbm>>) target(%arg7 : memref<128x128xf32, #tpu.memory_space<vmem>>) offsets(%dma_start3A_8 : memref<128xi32, #tpu.memory_space<vmem>>) semaphore(%arg11 : memref<!tpu.dma_semaphore, #tpu.memory_space<semaphore_mem>>)
    %dma_start3A_12 = arith.constant 256 : i32
    %dma_start3A_13 = tpu.memref_slice %arg5[%dma_start3A_12] : memref<512xi32, #tpu.memory_space<vmem>> -> memref<128xi32, #tpu.memory_space<vmem>>
    %dma_start3A_14 = arith.constant 0 : i32
    %dma_start3A_15 = arith.constant 0 : i32
    %dma_start3A_16 = tpu.memref_slice %arg3[%dma_start3A_14, %dma_start3A_15] : memref<100000x128xf32, #tpu.memory_space<hbm>> -> memref<100000x128xf32, #tpu.memory_space<hbm>>
    tpu.enqueue_indirect_dma source(%dma_start3A_16 : memref<100000x128xf32, #tpu.memory_space<hbm>>) target(%arg8 : memref<128x128xf32, #tpu.memory_space<vmem>>) offsets(%dma_start3A_13 : memref<128xi32, #tpu.memory_space<vmem>>) semaphore(%arg12 : memref<!tpu.dma_semaphore, #tpu.memory_space<semaphore_mem>>)
    %dma_start3A_17 = arith.constant 384 : i32
    %dma_start3A_18 = tpu.memref_slice %arg5[%dma_start3A_17] : memref<512xi32, #tpu.memory_space<vmem>> -> memref<128xi32, #tpu.memory_space<vmem>>
    %dma_start3A_19 = arith.constant 0 : i32
    %dma_start3A_20 = arith.constant 0 : i32
    %dma_start3A_21 = tpu.memref_slice %arg3[%dma_start3A_19, %dma_start3A_20] : memref<100000x128xf32, #tpu.memory_space<hbm>> -> memref<100000x128xf32, #tpu.memory_space<hbm>>
    tpu.enqueue_indirect_dma source(%dma_start3A_21 : memref<100000x128xf32, #tpu.memory_space<hbm>>) target(%arg9 : memref<128x128xf32, #tpu.memory_space<vmem>>) offsets(%dma_start3A_18 : memref<128xi32, #tpu.memory_space<vmem>>) semaphore(%arg13 : memref<!tpu.dma_semaphore, #tpu.memory_space<semaphore_mem>>)
    %dma_wait3A = arith.constant 0 : i32
    %dma_wait3A_22 = tpu.memref_slice %arg5[%dma_wait3A] : memref<512xi32, #tpu.memory_space<vmem>> -> memref<128xi32, #tpu.memory_space<vmem>>
    %dma_wait3A_23 = arith.constant 0 : i32
    %dma_wait3A_24 = arith.constant 0 : i32
    %dma_wait3A_25 = tpu.memref_slice %arg3[%dma_wait3A_23, %dma_wait3A_24] : memref<100000x128xf32, #tpu.memory_space<hbm>> -> memref<100000x128xf32, #tpu.memory_space<hbm>>
    tpu.wait_indirect_dma semaphore(%arg10 : memref<!tpu.dma_semaphore, #tpu.memory_space<semaphore_mem>>) src(%dma_wait3A_25 : memref<100000x128xf32, #tpu.memory_space<hbm>>) dst(%arg6 : memref<128x128xf32, #tpu.memory_space<vmem>>)
    %parallel_loop3A = arith.constant 0 : i32
    %parallel_loop3A_26 = arith.constant 128 : i32
    %parallel_loop3A_27 = arith.constant 1 : i32
    scf.for %parallel_loop3A_92 = %parallel_loop3A to %parallel_loop3A_26 step %parallel_loop3A_27  : i32 {
      %parallel_loop3A_93 = arith.constant 0.000000e+00 : f32
      %parallel_loop3A_94 = vector.broadcast %parallel_loop3A_93 : f32 to vector<16xf32>
      %parallel_loop3A_95 = arith.index_cast %parallel_loop3A_92 : i32 to index
      %parallel_loop3A_96 = arith.constant 0 : index
      %parallel_loop3A_97 = tpu.vector_load %arg6[%parallel_loop3A_95, %parallel_loop3A_96] {strides = array<i32>} : memref<128x128xf32, #tpu.memory_space<vmem>>, vector<1x16xf32>,
      %parallel_loop3A_98 = vector.shape_cast %parallel_loop3A_97 : vector<1x16xf32> to vector<16xf32>
      %parallel_loop3A_99 = arith.mulf %parallel_loop3A_98, %parallel_loop3A_98 : vector<16xf32>
      %parallel_loop3A_100 = arith.addf %parallel_loop3A_94, %parallel_loop3A_99 : vector<16xf32>
      %parallel_loop3A_101 = arith.index_cast %parallel_loop3A_92 : i32 to index
      %parallel_loop3A_102 = arith.constant 16 : index
      %parallel_loop3A_103 = tpu.vector_load %arg6[%parallel_loop3A_101, %parallel_loop3A_102] {strides = array<i32>} : memref<128x128xf32, #tpu.memory_space<vmem>>, vector<1x16xf32>,
      %parallel_loop3A_104 = vector.shape_cast %parallel_loop3A_103 : vector<1x16xf32> to vector<16xf32>
      %parallel_loop3A_105 = arith.mulf %parallel_loop3A_104, %parallel_loop3A_104 : vector<16xf32>
      %parallel_loop3A_106 = arith.addf %parallel_loop3A_100, %parallel_loop3A_105 : vector<16xf32>
      %parallel_loop3A_107 = arith.index_cast %parallel_loop3A_92 : i32 to index
      %parallel_loop3A_108 = arith.constant 32 : index
      %parallel_loop3A_109 = tpu.vector_load %arg6[%parallel_loop3A_107, %parallel_loop3A_108] {strides = array<i32>} : memref<128x128xf32, #tpu.memory_space<vmem>>, vector<1x16xf32>,
      %parallel_loop3A_110 = vector.shape_cast %parallel_loop3A_109 : vector<1x16xf32> to vector<16xf32>
      %parallel_loop3A_111 = arith.mulf %parallel_loop3A_110, %parallel_loop3A_110 : vector<16xf32>
      %parallel_loop3A_112 = arith.addf %parallel_loop3A_106, %parallel_loop3A_111 : vector<16xf32>
      %parallel_loop3A_113 = arith.index_cast %parallel_loop3A_92 : i32 to index
      %parallel_loop3A_114 = arith.constant 48 : index
      %parallel_loop3A_115 = tpu.vector_load %arg6[%parallel_loop3A_113, %parallel_loop3A_114] {strides = array<i32>} : memref<128x128xf32, #tpu.memory_space<vmem>>, vector<1x16xf32>,
      %parallel_loop3A_116 = vector.shape_cast %parallel_loop3A_115 : vector<1x16xf32> to vector<16xf32>
      %parallel_loop3A_117 = arith.mulf %parallel_loop3A_116, %parallel_loop3A_116 : vector<16xf32>
      %parallel_loop3A_118 = arith.addf %parallel_loop3A_112, %parallel_loop3A_117 : vector<16xf32>
      %parallel_loop3A_119 = arith.index_cast %parallel_loop3A_92 : i32 to index
      %parallel_loop3A_120 = arith.constant 64 : index
      %parallel_loop3A_121 = tpu.vector_load %arg6[%parallel_loop3A_119, %parallel_loop3A_120] {strides = array<i32>} : memref<128x128xf32, #tpu.memory_space<vmem>>, vector<1x16xf32>,
      %parallel_loop3A_122 = vector.shape_cast %parallel_loop3A_121 : vector<1x16xf32> to vector<16xf32>
      %parallel_loop3A_123 = arith.mulf %parallel_loop3A_122, %parallel_loop3A_122 : vector<16xf32>
      %parallel_loop3A_124 = arith.addf %parallel_loop3A_118, %parallel_loop3A_123 : vector<16xf32>
      %parallel_loop3A_125 = arith.index_cast %parallel_loop3A_92 : i32 to index
      %parallel_loop3A_126 = arith.constant 80 : index
      %parallel_loop3A_127 = tpu.vector_load %arg6[%parallel_loop3A_125, %parallel_loop3A_126] {strides = array<i32>} : memref<128x128xf32, #tpu.memory_space<vmem>>, vector<1x16xf32>,
      %parallel_loop3A_128 = vector.shape_cast %parallel_loop3A_127 : vector<1x16xf32> to vector<16xf32>
      %parallel_loop3A_129 = arith.mulf %parallel_loop3A_128, %parallel_loop3A_128 : vector<16xf32>
      %parallel_loop3A_130 = arith.addf %parallel_loop3A_124, %parallel_loop3A_129 : vector<16xf32>
      %parallel_loop3A_131 = arith.index_cast %parallel_loop3A_92 : i32 to index
      %parallel_loop3A_132 = arith.constant 96 : index
      %parallel_loop3A_133 = tpu.vector_load %arg6[%parallel_loop3A_131, %parallel_loop3A_132] {strides = array<i32>} : memref<128x128xf32, #tpu.memory_space<vmem>>, vector<1x16xf32>,
      %parallel_loop3A_134 = vector.shape_cast %parallel_loop3A_133 : vector<1x16xf32> to vector<16xf32>
      %parallel_loop3A_135 = arith.mulf %parallel_loop3A_134, %parallel_loop3A_134 : vector<16xf32>
      %parallel_loop3A_136 = arith.addf %parallel_loop3A_130, %parallel_loop3A_135 : vector<16xf32>
      %parallel_loop3A_137 = arith.index_cast %parallel_loop3A_92 : i32 to index
      %parallel_loop3A_138 = arith.constant 112 : index
      %parallel_loop3A_139 = tpu.vector_load %arg6[%parallel_loop3A_137, %parallel_loop3A_138] {strides = array<i32>} : memref<128x128xf32, #tpu.memory_space<vmem>>, vector<1x16xf32>,
      %parallel_loop3A_140 = vector.shape_cast %parallel_loop3A_139 : vector<1x16xf32> to vector<16xf32>
      %parallel_loop3A_141 = arith.mulf %parallel_loop3A_140, %parallel_loop3A_140 : vector<16xf32>
      %parallel_loop3A_142 = arith.addf %parallel_loop3A_136, %parallel_loop3A_141 : vector<16xf32>
      %parallel_loop3A_143 = tpu.iota {dimensions = array<i32: 0>} : vector<16xi32>
      %parallel_loop3A_144 = arith.constant 8 : i32
      %parallel_loop3A_145 = vector.broadcast %parallel_loop3A_144 : i32 to vector<16xi32>
      %parallel_loop3A_146 = arith.xori %parallel_loop3A_143, %parallel_loop3A_145 : vector<16xi32>
      %parallel_loop3A_147 = vector.shape_cast %parallel_loop3A_146 : vector<16xi32> to vector<16x1xi32>
      %parallel_loop3A_148 = vector.shape_cast %parallel_loop3A_147 : vector<16x1xi32> to vector<16xi32>
      %parallel_loop3A_149 = tpu.dynamic_gather %parallel_loop3A_142[%parallel_loop3A_148] in [0] : vector<16xf32>, vector<16xi32> -> vector<16xf32>
      %parallel_loop3A_150 = arith.addf %parallel_loop3A_142, %parallel_loop3A_149 : vector<16xf32>
      %parallel_loop3A_151 = arith.constant 4 : i32
      %parallel_loop3A_152 = vector.broadcast %parallel_loop3A_151 : i32 to vector<16xi32>
      %parallel_loop3A_153 = arith.xori %parallel_loop3A_143, %parallel_loop3A_152 : vector<16xi32>
      %parallel_loop3A_154 = vector.shape_cast %parallel_loop3A_153 : vector<16xi32> to vector<16x1xi32>
      %parallel_loop3A_155 = vector.shape_cast %parallel_loop3A_154 : vector<16x1xi32> to vector<16xi32>
      %parallel_loop3A_156 = tpu.dynamic_gather %parallel_loop3A_150[%parallel_loop3A_155] in [0] : vector<16xf32>, vector<16xi32> -> vector<16xf32>
      %parallel_loop3A_157 = arith.addf %parallel_loop3A_150, %parallel_loop3A_156 : vector<16xf32>
      %parallel_loop3A_158 = arith.constant 2 : i32
      %parallel_loop3A_159 = vector.broadcast %parallel_loop3A_158 : i32 to vector<16xi32>
      %parallel_loop3A_160 = arith.xori %parallel_loop3A_143, %parallel_loop3A_159 : vector<16xi32>
      %parallel_loop3A_161 = vector.shape_cast %parallel_loop3A_160 : vector<16xi32> to vector<16x1xi32>
      %parallel_loop3A_162 = vector.shape_cast %parallel_loop3A_161 : vector<16x1xi32> to vector<16xi32>
      %parallel_loop3A_163 = tpu.dynamic_gather %parallel_loop3A_157[%parallel_loop3A_162] in [0] : vector<16xf32>, vector<16xi32> -> vector<16xf32>
      %parallel_loop3A_164 = arith.addf %parallel_loop3A_157, %parallel_loop3A_163 : vector<16xf32>
      %parallel_loop3A_165 = arith.constant 1 : i32
      %parallel_loop3A_166 = vector.broadcast %parallel_loop3A_165 : i32 to vector<16xi32>
      %parallel_loop3A_167 = arith.xori %parallel_loop3A_143, %parallel_loop3A_166 : vector<16xi32>
      %parallel_loop3A_168 = vector.shape_cast %parallel_loop3A_167 : vector<16xi32> to vector<16x1xi32>
      %parallel_loop3A_169 = vector.shape_cast %parallel_loop3A_168 : vector<16x1xi32> to vector<16xi32>
      %parallel_loop3A_170 = tpu.dynamic_gather %parallel_loop3A_164[%parallel_loop3A_169] in [0] : vector<16xf32>, vector<16xi32> -> vector<16xf32>
      %parallel_loop3A_171 = arith.addf %parallel_loop3A_164, %parallel_loop3A_170 : vector<16xf32>
      %parallel_loop3A_172 = tpu.bitcast %parallel_loop3A_171 : vector<16xf32> -> vector<16xi32>
      %parallel_loop3A_173 = arith.constant 1597463007 : i32
      %parallel_loop3A_174 = vector.broadcast %parallel_loop3A_173 : i32 to vector<16xi32>
      %parallel_loop3A_175 = arith.constant 1 : i32
      %parallel_loop3A_176 = vector.broadcast %parallel_loop3A_175 : i32 to vector<16xi32>
      %parallel_loop3A_177 = arith.shrui %parallel_loop3A_172, %parallel_loop3A_176 : vector<16xi32>
      %parallel_loop3A_178 = arith.subi %parallel_loop3A_174, %parallel_loop3A_177 : vector<16xi32>
      %parallel_loop3A_179 = tpu.bitcast %parallel_loop3A_178 : vector<16xi32> -> vector<16xf32>
      %parallel_loop3A_180 = arith.constant 5.000000e-01 : f32
      %parallel_loop3A_181 = vector.broadcast %parallel_loop3A_180 : f32 to vector<16xf32>
      %parallel_loop3A_182 = arith.mulf %parallel_loop3A_171, %parallel_loop3A_181 : vector<16xf32>
      %parallel_loop3A_183 = arith.mulf %parallel_loop3A_182, %parallel_loop3A_179 : vector<16xf32>
      %parallel_loop3A_184 = arith.mulf %parallel_loop3A_183, %parallel_loop3A_179 : vector<16xf32>
      %parallel_loop3A_185 = arith.constant 1.500000e+00 : f32
      %parallel_loop3A_186 = vector.broadcast %parallel_loop3A_185 : f32 to vector<16xf32>
      %parallel_loop3A_187 = arith.subf %parallel_loop3A_186, %parallel_loop3A_184 : vector<16xf32>
      %parallel_loop3A_188 = arith.mulf %parallel_loop3A_179, %parallel_loop3A_187 : vector<16xf32>
      %parallel_loop3A_189 = arith.mulf %parallel_loop3A_98, %parallel_loop3A_188 : vector<16xf32>
      %parallel_loop3A_190 = arith.index_cast %parallel_loop3A_92 : i32 to index
      %parallel_loop3A_191 = arith.constant 0 : index
      %parallel_loop3A_192 = tpu.vector_load %arg6[%parallel_loop3A_190, %parallel_loop3A_191] {strides = array<i32>} : memref<128x128xf32, #tpu.memory_space<vmem>>, vector<1x16xf32>,
      %parallel_loop3A_193 = vector.shape_cast %parallel_loop3A_192 : vector<1x16xf32> to vector<16xf32>
      %parallel_loop3A_194 = vector.shape_cast %parallel_loop3A_189 : vector<16xf32> to vector<1x16xf32>
      tpu.vector_store %arg6[%parallel_loop3A_190, %parallel_loop3A_191], %parallel_loop3A_194 {strides = array<i32>} : memref<128x128xf32, #tpu.memory_space<vmem>>, vector<1x16xf32>,
      %parallel_loop3A_195 = arith.mulf %parallel_loop3A_104, %parallel_loop3A_188 : vector<16xf32>
      %parallel_loop3A_196 = arith.index_cast %parallel_loop3A_92 : i32 to index
      %parallel_loop3A_197 = arith.constant 16 : index
      %parallel_loop3A_198 = tpu.vector_load %arg6[%parallel_loop3A_196, %parallel_loop3A_197] {strides = array<i32>} : memref<128x128xf32, #tpu.memory_space<vmem>>, vector<1x16xf32>,
      %parallel_loop3A_199 = vector.shape_cast %parallel_loop3A_198 : vector<1x16xf32> to vector<16xf32>
      %parallel_loop3A_200 = vector.shape_cast %parallel_loop3A_195 : vector<16xf32> to vector<1x16xf32>
      tpu.vector_store %arg6[%parallel_loop3A_196, %parallel_loop3A_197], %parallel_loop3A_200 {strides = array<i32>} : memref<128x128xf32, #tpu.memory_space<vmem>>, vector<1x16xf32>,
      %parallel_loop3A_201 = arith.mulf %parallel_loop3A_110, %parallel_loop3A_188 : vector<16xf32>
      %parallel_loop3A_202 = arith.index_cast %parallel_loop3A_92 : i32 to index
      %parallel_loop3A_203 = arith.constant 32 : index
      %parallel_loop3A_204 = tpu.vector_load %arg6[%parallel_loop3A_202, %parallel_loop3A_203] {strides = array<i32>} : memref<128x128xf32, #tpu.memory_space<vmem>>, vector<1x16xf32>,
      %parallel_loop3A_205 = vector.shape_cast %parallel_loop3A_204 : vector<1x16xf32> to vector<16xf32>
      %parallel_loop3A_206 = vector.shape_cast %parallel_loop3A_201 : vector<16xf32> to vector<1x16xf32>
      tpu.vector_store %arg6[%parallel_loop3A_202, %parallel_loop3A_203], %parallel_loop3A_206 {strides = array<i32>} : memref<128x128xf32, #tpu.memory_space<vmem>>, vector<1x16xf32>,
      %parallel_loop3A_207 = arith.mulf %parallel_loop3A_116, %parallel_loop3A_188 : vector<16xf32>
      %parallel_loop3A_208 = arith.index_cast %parallel_loop3A_92 : i32 to index
      %parallel_loop3A_209 = arith.constant 48 : index
      %parallel_loop3A_210 = tpu.vector_load %arg6[%parallel_loop3A_208, %parallel_loop3A_209] {strides = array<i32>} : memref<128x128xf32, #tpu.memory_space<vmem>>, vector<1x16xf32>,
      %parallel_loop3A_211 = vector.shape_cast %parallel_loop3A_210 : vector<1x16xf32> to vector<16xf32>
      %parallel_loop3A_212 = vector.shape_cast %parallel_loop3A_207 : vector<16xf32> to vector<1x16xf32>
      tpu.vector_store %arg6[%parallel_loop3A_208, %parallel_loop3A_209], %parallel_loop3A_212 {strides = array<i32>} : memref<128x128xf32, #tpu.memory_space<vmem>>, vector<1x16xf32>,
      %parallel_loop3A_213 = arith.mulf %parallel_loop3A_122, %parallel_loop3A_188 : vector<16xf32>
      %parallel_loop3A_214 = arith.index_cast %parallel_loop3A_92 : i32 to index
      %parallel_loop3A_215 = arith.constant 64 : index
      %parallel_loop3A_216 = tpu.vector_load %arg6[%parallel_loop3A_214, %parallel_loop3A_215] {strides = array<i32>} : memref<128x128xf32, #tpu.memory_space<vmem>>, vector<1x16xf32>,
      %parallel_loop3A_217 = vector.shape_cast %parallel_loop3A_216 : vector<1x16xf32> to vector<16xf32>
      %parallel_loop3A_218 = vector.shape_cast %parallel_loop3A_213 : vector<16xf32> to vector<1x16xf32>
      tpu.vector_store %arg6[%parallel_loop3A_214, %parallel_loop3A_215], %parallel_loop3A_218 {strides = array<i32>} : memref<128x128xf32, #tpu.memory_space<vmem>>, vector<1x16xf32>,
      %parallel_loop3A_219 = arith.mulf %parallel_loop3A_128, %parallel_loop3A_188 : vector<16xf32>
      %parallel_loop3A_220 = arith.index_cast %parallel_loop3A_92 : i32 to index
      %parallel_loop3A_221 = arith.constant 80 : index
      %parallel_loop3A_222 = tpu.vector_load %arg6[%parallel_loop3A_220, %parallel_loop3A_221] {strides = array<i32>} : memref<128x128xf32, #tpu.memory_space<vmem>>, vector<1x16xf32>,
      %parallel_loop3A_223 = vector.shape_cast %parallel_loop3A_222 : vector<1x16xf32> to vector<16xf32>
      %parallel_loop3A_224 = vector.shape_cast %parallel_loop3A_219 : vector<16xf32> to vector<1x16xf32>
      tpu.vector_store %arg6[%parallel_loop3A_220, %parallel_loop3A_221], %parallel_loop3A_224 {strides = array<i32>} : memref<128x128xf32, #tpu.memory_space<vmem>>, vector<1x16xf32>,
      %parallel_loop3A_225 = arith.mulf %parallel_loop3A_134, %parallel_loop3A_188 : vector<16xf32>
      %parallel_loop3A_226 = arith.index_cast %parallel_loop3A_92 : i32 to index
      %parallel_loop3A_227 = arith.constant 96 : index
      %parallel_loop3A_228 = tpu.vector_load %arg6[%parallel_loop3A_226, %parallel_loop3A_227] {strides = array<i32>} : memref<128x128xf32, #tpu.memory_space<vmem>>, vector<1x16xf32>,
      %parallel_loop3A_229 = vector.shape_cast %parallel_loop3A_228 : vector<1x16xf32> to vector<16xf32>
      %parallel_loop3A_230 = vector.shape_cast %parallel_loop3A_225 : vector<16xf32> to vector<1x16xf32>
      tpu.vector_store %arg6[%parallel_loop3A_226, %parallel_loop3A_227], %parallel_loop3A_230 {strides = array<i32>} : memref<128x128xf32, #tpu.memory_space<vmem>>, vector<1x16xf32>,
      %parallel_loop3A_231 = arith.mulf %parallel_loop3A_140, %parallel_loop3A_188 : vector<16xf32>
      %parallel_loop3A_232 = arith.index_cast %parallel_loop3A_92 : i32 to index
      %parallel_loop3A_233 = arith.constant 112 : index
      %parallel_loop3A_234 = tpu.vector_load %arg6[%parallel_loop3A_232, %parallel_loop3A_233] {strides = array<i32>} : memref<128x128xf32, #tpu.memory_space<vmem>>, vector<1x16xf32>,
      %parallel_loop3A_235 = vector.shape_cast %parallel_loop3A_234 : vector<1x16xf32> to vector<16xf32>
      %parallel_loop3A_236 = vector.shape_cast %parallel_loop3A_231 : vector<16xf32> to vector<1x16xf32>
      tpu.vector_store %arg6[%parallel_loop3A_232, %parallel_loop3A_233], %parallel_loop3A_236 {strides = array<i32>} : memref<128x128xf32, #tpu.memory_space<vmem>>, vector<1x16xf32>,
    } {sc.loop_unroll_factor = 4 : i64, sc.parallel_access}
    %add3A_28 = arith.constant 0 : i32
    %add3A_29 = arith.addi %mul3A_2, %add3A_28 : i32
    %dma_start3A_30 = arith.constant 0 : i32
    %dma_start3A_31 = tpu.memref_slice %arg4[%add3A_29, %dma_start3A_30] : memref<16384x128xf32, #tpu.memory_space<hbm>> -> memref<128x128xf32, #tpu.memory_space<hbm>>
    %dma_start3A_32 = arith.constant 0 : i32
    %dma_start3A_33 = tpu.memref_slice %arg4[%add3A_29, %dma_start3A_32] : memref<16384x128xf32, #tpu.memory_space<hbm>> -> memref<128x128xf32, #tpu.memory_space<hbm>>
    tpu.enqueue_dma source(%arg6 : memref<128x128xf32, #tpu.memory_space<vmem>>) target(%dma_start3A_33 : memref<128x128xf32, #tpu.memory_space<hbm>>) target_semaphore(%arg14 : memref<!tpu.dma_semaphore, #tpu.memory_space<semaphore_mem>>)
    %dma_wait3A_34 = arith.constant 128 : i32
    %dma_wait3A_35 = tpu.memref_slice %arg5[%dma_wait3A_34] : memref<512xi32, #tpu.memory_space<vmem>> -> memref<128xi32, #tpu.memory_space<vmem>>
    %dma_wait3A_36 = arith.constant 0 : i32
    %dma_wait3A_37 = arith.constant 0 : i32
    %dma_wait3A_38 = tpu.memref_slice %arg3[%dma_wait3A_36, %dma_wait3A_37] : memref<100000x128xf32, #tpu.memory_space<hbm>> -> memref<100000x128xf32, #tpu.memory_space<hbm>>
    tpu.wait_indirect_dma semaphore(%arg11 : memref<!tpu.dma_semaphore, #tpu.memory_space<semaphore_mem>>) src(%dma_wait3A_38 : memref<100000x128xf32, #tpu.memory_space<hbm>>) dst(%arg7 : memref<128x128xf32, #tpu.memory_space<vmem>>)
    %parallel_loop3A_39 = arith.constant 0 : i32
    %parallel_loop3A_40 = arith.constant 128 : i32
    %parallel_loop3A_41 = arith.constant 1 : i32
    scf.for %parallel_loop3A_92 = %parallel_loop3A_39 to %parallel_loop3A_40 step %parallel_loop3A_41  : i32 {
      %parallel_loop3A_93 = arith.constant 0.000000e+00 : f32
      %parallel_loop3A_94 = vector.broadcast %parallel_loop3A_93 : f32 to vector<16xf32>
      %parallel_loop3A_95 = arith.index_cast %parallel_loop3A_92 : i32 to index
      %parallel_loop3A_96 = arith.constant 0 : index
      %parallel_loop3A_97 = tpu.vector_load %arg7[%parallel_loop3A_95, %parallel_loop3A_96] {strides = array<i32>} : memref<128x128xf32, #tpu.memory_space<vmem>>, vector<1x16xf32>,
      %parallel_loop3A_98 = vector.shape_cast %parallel_loop3A_97 : vector<1x16xf32> to vector<16xf32>
      %parallel_loop3A_99 = arith.mulf %parallel_loop3A_98, %parallel_loop3A_98 : vector<16xf32>
      %parallel_loop3A_100 = arith.addf %parallel_loop3A_94, %parallel_loop3A_99 : vector<16xf32>
      %parallel_loop3A_101 = arith.index_cast %parallel_loop3A_92 : i32 to index
      %parallel_loop3A_102 = arith.constant 16 : index
      %parallel_loop3A_103 = tpu.vector_load %arg7[%parallel_loop3A_101, %parallel_loop3A_102] {strides = array<i32>} : memref<128x128xf32, #tpu.memory_space<vmem>>, vector<1x16xf32>,
      %parallel_loop3A_104 = vector.shape_cast %parallel_loop3A_103 : vector<1x16xf32> to vector<16xf32>
      %parallel_loop3A_105 = arith.mulf %parallel_loop3A_104, %parallel_loop3A_104 : vector<16xf32>
      %parallel_loop3A_106 = arith.addf %parallel_loop3A_100, %parallel_loop3A_105 : vector<16xf32>
      %parallel_loop3A_107 = arith.index_cast %parallel_loop3A_92 : i32 to index
      %parallel_loop3A_108 = arith.constant 32 : index
      %parallel_loop3A_109 = tpu.vector_load %arg7[%parallel_loop3A_107, %parallel_loop3A_108] {strides = array<i32>} : memref<128x128xf32, #tpu.memory_space<vmem>>, vector<1x16xf32>,
      %parallel_loop3A_110 = vector.shape_cast %parallel_loop3A_109 : vector<1x16xf32> to vector<16xf32>
      %parallel_loop3A_111 = arith.mulf %parallel_loop3A_110, %parallel_loop3A_110 : vector<16xf32>
      %parallel_loop3A_112 = arith.addf %parallel_loop3A_106, %parallel_loop3A_111 : vector<16xf32>
      %parallel_loop3A_113 = arith.index_cast %parallel_loop3A_92 : i32 to index
      %parallel_loop3A_114 = arith.constant 48 : index
      %parallel_loop3A_115 = tpu.vector_load %arg7[%parallel_loop3A_113, %parallel_loop3A_114] {strides = array<i32>} : memref<128x128xf32, #tpu.memory_space<vmem>>, vector<1x16xf32>,
      %parallel_loop3A_116 = vector.shape_cast %parallel_loop3A_115 : vector<1x16xf32> to vector<16xf32>
      %parallel_loop3A_117 = arith.mulf %parallel_loop3A_116, %parallel_loop3A_116 : vector<16xf32>
      %parallel_loop3A_118 = arith.addf %parallel_loop3A_112, %parallel_loop3A_117 : vector<16xf32>
      %parallel_loop3A_119 = arith.index_cast %parallel_loop3A_92 : i32 to index
      %parallel_loop3A_120 = arith.constant 64 : index
      %parallel_loop3A_121 = tpu.vector_load %arg7[%parallel_loop3A_119, %parallel_loop3A_120] {strides = array<i32>} : memref<128x128xf32, #tpu.memory_space<vmem>>, vector<1x16xf32>,
      %parallel_loop3A_122 = vector.shape_cast %parallel_loop3A_121 : vector<1x16xf32> to vector<16xf32>
      %parallel_loop3A_123 = arith.mulf %parallel_loop3A_122, %parallel_loop3A_122 : vector<16xf32>
      %parallel_loop3A_124 = arith.addf %parallel_loop3A_118, %parallel_loop3A_123 : vector<16xf32>
      %parallel_loop3A_125 = arith.index_cast %parallel_loop3A_92 : i32 to index
      %parallel_loop3A_126 = arith.constant 80 : index
      %parallel_loop3A_127 = tpu.vector_load %arg7[%parallel_loop3A_125, %parallel_loop3A_126] {strides = array<i32>} : memref<128x128xf32, #tpu.memory_space<vmem>>, vector<1x16xf32>,
      %parallel_loop3A_128 = vector.shape_cast %parallel_loop3A_127 : vector<1x16xf32> to vector<16xf32>
      %parallel_loop3A_129 = arith.mulf %parallel_loop3A_128, %parallel_loop3A_128 : vector<16xf32>
      %parallel_loop3A_130 = arith.addf %parallel_loop3A_124, %parallel_loop3A_129 : vector<16xf32>
      %parallel_loop3A_131 = arith.index_cast %parallel_loop3A_92 : i32 to index
      %parallel_loop3A_132 = arith.constant 96 : index
      %parallel_loop3A_133 = tpu.vector_load %arg7[%parallel_loop3A_131, %parallel_loop3A_132] {strides = array<i32>} : memref<128x128xf32, #tpu.memory_space<vmem>>, vector<1x16xf32>,
      %parallel_loop3A_134 = vector.shape_cast %parallel_loop3A_133 : vector<1x16xf32> to vector<16xf32>
      %parallel_loop3A_135 = arith.mulf %parallel_loop3A_134, %parallel_loop3A_134 : vector<16xf32>
      %parallel_loop3A_136 = arith.addf %parallel_loop3A_130, %parallel_loop3A_135 : vector<16xf32>
      %parallel_loop3A_137 = arith.index_cast %parallel_loop3A_92 : i32 to index
      %parallel_loop3A_138 = arith.constant 112 : index
      %parallel_loop3A_139 = tpu.vector_load %arg7[%parallel_loop3A_137, %parallel_loop3A_138] {strides = array<i32>} : memref<128x128xf32, #tpu.memory_space<vmem>>, vector<1x16xf32>,
      %parallel_loop3A_140 = vector.shape_cast %parallel_loop3A_139 : vector<1x16xf32> to vector<16xf32>
      %parallel_loop3A_141 = arith.mulf %parallel_loop3A_140, %parallel_loop3A_140 : vector<16xf32>
      %parallel_loop3A_142 = arith.addf %parallel_loop3A_136, %parallel_loop3A_141 : vector<16xf32>
      %parallel_loop3A_143 = tpu.iota {dimensions = array<i32: 0>} : vector<16xi32>
      %parallel_loop3A_144 = arith.constant 8 : i32
      %parallel_loop3A_145 = vector.broadcast %parallel_loop3A_144 : i32 to vector<16xi32>
      %parallel_loop3A_146 = arith.xori %parallel_loop3A_143, %parallel_loop3A_145 : vector<16xi32>
      %parallel_loop3A_147 = vector.shape_cast %parallel_loop3A_146 : vector<16xi32> to vector<16x1xi32>
      %parallel_loop3A_148 = vector.shape_cast %parallel_loop3A_147 : vector<16x1xi32> to vector<16xi32>
      %parallel_loop3A_149 = tpu.dynamic_gather %parallel_loop3A_142[%parallel_loop3A_148] in [0] : vector<16xf32>, vector<16xi32> -> vector<16xf32>
      %parallel_loop3A_150 = arith.addf %parallel_loop3A_142, %parallel_loop3A_149 : vector<16xf32>
      %parallel_loop3A_151 = arith.constant 4 : i32
      %parallel_loop3A_152 = vector.broadcast %parallel_loop3A_151 : i32 to vector<16xi32>
      %parallel_loop3A_153 = arith.xori %parallel_loop3A_143, %parallel_loop3A_152 : vector<16xi32>
      %parallel_loop3A_154 = vector.shape_cast %parallel_loop3A_153 : vector<16xi32> to vector<16x1xi32>
      %parallel_loop3A_155 = vector.shape_cast %parallel_loop3A_154 : vector<16x1xi32> to vector<16xi32>
      %parallel_loop3A_156 = tpu.dynamic_gather %parallel_loop3A_150[%parallel_loop3A_155] in [0] : vector<16xf32>, vector<16xi32> -> vector<16xf32>
      %parallel_loop3A_157 = arith.addf %parallel_loop3A_150, %parallel_loop3A_156 : vector<16xf32>
      %parallel_loop3A_158 = arith.constant 2 : i32
      %parallel_loop3A_159 = vector.broadcast %parallel_loop3A_158 : i32 to vector<16xi32>
      %parallel_loop3A_160 = arith.xori %parallel_loop3A_143, %parallel_loop3A_159 : vector<16xi32>
      %parallel_loop3A_161 = vector.shape_cast %parallel_loop3A_160 : vector<16xi32> to vector<16x1xi32>
      %parallel_loop3A_162 = vector.shape_cast %parallel_loop3A_161 : vector<16x1xi32> to vector<16xi32>
      %parallel_loop3A_163 = tpu.dynamic_gather %parallel_loop3A_157[%parallel_loop3A_162] in [0] : vector<16xf32>, vector<16xi32> -> vector<16xf32>
      %parallel_loop3A_164 = arith.addf %parallel_loop3A_157, %parallel_loop3A_163 : vector<16xf32>
      %parallel_loop3A_165 = arith.constant 1 : i32
      %parallel_loop3A_166 = vector.broadcast %parallel_loop3A_165 : i32 to vector<16xi32>
      %parallel_loop3A_167 = arith.xori %parallel_loop3A_143, %parallel_loop3A_166 : vector<16xi32>
      %parallel_loop3A_168 = vector.shape_cast %parallel_loop3A_167 : vector<16xi32> to vector<16x1xi32>
      %parallel_loop3A_169 = vector.shape_cast %parallel_loop3A_168 : vector<16x1xi32> to vector<16xi32>
      %parallel_loop3A_170 = tpu.dynamic_gather %parallel_loop3A_164[%parallel_loop3A_169] in [0] : vector<16xf32>, vector<16xi32> -> vector<16xf32>
      %parallel_loop3A_171 = arith.addf %parallel_loop3A_164, %parallel_loop3A_170 : vector<16xf32>
      %parallel_loop3A_172 = tpu.bitcast %parallel_loop3A_171 : vector<16xf32> -> vector<16xi32>
      %parallel_loop3A_173 = arith.constant 1597463007 : i32
      %parallel_loop3A_174 = vector.broadcast %parallel_loop3A_173 : i32 to vector<16xi32>
      %parallel_loop3A_175 = arith.constant 1 : i32
      %parallel_loop3A_176 = vector.broadcast %parallel_loop3A_175 : i32 to vector<16xi32>
      %parallel_loop3A_177 = arith.shrui %parallel_loop3A_172, %parallel_loop3A_176 : vector<16xi32>
      %parallel_loop3A_178 = arith.subi %parallel_loop3A_174, %parallel_loop3A_177 : vector<16xi32>
      %parallel_loop3A_179 = tpu.bitcast %parallel_loop3A_178 : vector<16xi32> -> vector<16xf32>
      %parallel_loop3A_180 = arith.constant 5.000000e-01 : f32
      %parallel_loop3A_181 = vector.broadcast %parallel_loop3A_180 : f32 to vector<16xf32>
      %parallel_loop3A_182 = arith.mulf %parallel_loop3A_171, %parallel_loop3A_181 : vector<16xf32>
      %parallel_loop3A_183 = arith.mulf %parallel_loop3A_182, %parallel_loop3A_179 : vector<16xf32>
      %parallel_loop3A_184 = arith.mulf %parallel_loop3A_183, %parallel_loop3A_179 : vector<16xf32>
      %parallel_loop3A_185 = arith.constant 1.500000e+00 : f32
      %parallel_loop3A_186 = vector.broadcast %parallel_loop3A_185 : f32 to vector<16xf32>
      %parallel_loop3A_187 = arith.subf %parallel_loop3A_186, %parallel_loop3A_184 : vector<16xf32>
      %parallel_loop3A_188 = arith.mulf %parallel_loop3A_179, %parallel_loop3A_187 : vector<16xf32>
      %parallel_loop3A_189 = arith.mulf %parallel_loop3A_98, %parallel_loop3A_188 : vector<16xf32>
      %parallel_loop3A_190 = arith.index_cast %parallel_loop3A_92 : i32 to index
      %parallel_loop3A_191 = arith.constant 0 : index
      %parallel_loop3A_192 = tpu.vector_load %arg7[%parallel_loop3A_190, %parallel_loop3A_191] {strides = array<i32>} : memref<128x128xf32, #tpu.memory_space<vmem>>, vector<1x16xf32>,
      %parallel_loop3A_193 = vector.shape_cast %parallel_loop3A_192 : vector<1x16xf32> to vector<16xf32>
      %parallel_loop3A_194 = vector.shape_cast %parallel_loop3A_189 : vector<16xf32> to vector<1x16xf32>
      tpu.vector_store %arg7[%parallel_loop3A_190, %parallel_loop3A_191], %parallel_loop3A_194 {strides = array<i32>} : memref<128x128xf32, #tpu.memory_space<vmem>>, vector<1x16xf32>,
      %parallel_loop3A_195 = arith.mulf %parallel_loop3A_104, %parallel_loop3A_188 : vector<16xf32>
      %parallel_loop3A_196 = arith.index_cast %parallel_loop3A_92 : i32 to index
      %parallel_loop3A_197 = arith.constant 16 : index
      %parallel_loop3A_198 = tpu.vector_load %arg7[%parallel_loop3A_196, %parallel_loop3A_197] {strides = array<i32>} : memref<128x128xf32, #tpu.memory_space<vmem>>, vector<1x16xf32>,
      %parallel_loop3A_199 = vector.shape_cast %parallel_loop3A_198 : vector<1x16xf32> to vector<16xf32>
      %parallel_loop3A_200 = vector.shape_cast %parallel_loop3A_195 : vector<16xf32> to vector<1x16xf32>
      tpu.vector_store %arg7[%parallel_loop3A_196, %parallel_loop3A_197], %parallel_loop3A_200 {strides = array<i32>} : memref<128x128xf32, #tpu.memory_space<vmem>>, vector<1x16xf32>,
      %parallel_loop3A_201 = arith.mulf %parallel_loop3A_110, %parallel_loop3A_188 : vector<16xf32>
      %parallel_loop3A_202 = arith.index_cast %parallel_loop3A_92 : i32 to index
      %parallel_loop3A_203 = arith.constant 32 : index
      %parallel_loop3A_204 = tpu.vector_load %arg7[%parallel_loop3A_202, %parallel_loop3A_203] {strides = array<i32>} : memref<128x128xf32, #tpu.memory_space<vmem>>, vector<1x16xf32>,
      %parallel_loop3A_205 = vector.shape_cast %parallel_loop3A_204 : vector<1x16xf32> to vector<16xf32>
      %parallel_loop3A_206 = vector.shape_cast %parallel_loop3A_201 : vector<16xf32> to vector<1x16xf32>
      tpu.vector_store %arg7[%parallel_loop3A_202, %parallel_loop3A_203], %parallel_loop3A_206 {strides = array<i32>} : memref<128x128xf32, #tpu.memory_space<vmem>>, vector<1x16xf32>,
      %parallel_loop3A_207 = arith.mulf %parallel_loop3A_116, %parallel_loop3A_188 : vector<16xf32>
      %parallel_loop3A_208 = arith.index_cast %parallel_loop3A_92 : i32 to index
      %parallel_loop3A_209 = arith.constant 48 : index
      %parallel_loop3A_210 = tpu.vector_load %arg7[%parallel_loop3A_208, %parallel_loop3A_209] {strides = array<i32>} : memref<128x128xf32, #tpu.memory_space<vmem>>, vector<1x16xf32>,
      %parallel_loop3A_211 = vector.shape_cast %parallel_loop3A_210 : vector<1x16xf32> to vector<16xf32>
      %parallel_loop3A_212 = vector.shape_cast %parallel_loop3A_207 : vector<16xf32> to vector<1x16xf32>
      tpu.vector_store %arg7[%parallel_loop3A_208, %parallel_loop3A_209], %parallel_loop3A_212 {strides = array<i32>} : memref<128x128xf32, #tpu.memory_space<vmem>>, vector<1x16xf32>,
      %parallel_loop3A_213 = arith.mulf %parallel_loop3A_122, %parallel_loop3A_188 : vector<16xf32>
      %parallel_loop3A_214 = arith.index_cast %parallel_loop3A_92 : i32 to index
      %parallel_loop3A_215 = arith.constant 64 : index
      %parallel_loop3A_216 = tpu.vector_load %arg7[%parallel_loop3A_214, %parallel_loop3A_215] {strides = array<i32>} : memref<128x128xf32, #tpu.memory_space<vmem>>, vector<1x16xf32>,
      %parallel_loop3A_217 = vector.shape_cast %parallel_loop3A_216 : vector<1x16xf32> to vector<16xf32>
      %parallel_loop3A_218 = vector.shape_cast %parallel_loop3A_213 : vector<16xf32> to vector<1x16xf32>
      tpu.vector_store %arg7[%parallel_loop3A_214, %parallel_loop3A_215], %parallel_loop3A_218 {strides = array<i32>} : memref<128x128xf32, #tpu.memory_space<vmem>>, vector<1x16xf32>,
      %parallel_loop3A_219 = arith.mulf %parallel_loop3A_128, %parallel_loop3A_188 : vector<16xf32>
      %parallel_loop3A_220 = arith.index_cast %parallel_loop3A_92 : i32 to index
      %parallel_loop3A_221 = arith.constant 80 : index
      %parallel_loop3A_222 = tpu.vector_load %arg7[%parallel_loop3A_220, %parallel_loop3A_221] {strides = array<i32>} : memref<128x128xf32, #tpu.memory_space<vmem>>, vector<1x16xf32>,
      %parallel_loop3A_223 = vector.shape_cast %parallel_loop3A_222 : vector<1x16xf32> to vector<16xf32>
      %parallel_loop3A_224 = vector.shape_cast %parallel_loop3A_219 : vector<16xf32> to vector<1x16xf32>
      tpu.vector_store %arg7[%parallel_loop3A_220, %parallel_loop3A_221], %parallel_loop3A_224 {strides = array<i32>} : memref<128x128xf32, #tpu.memory_space<vmem>>, vector<1x16xf32>,
      %parallel_loop3A_225 = arith.mulf %parallel_loop3A_134, %parallel_loop3A_188 : vector<16xf32>
      %parallel_loop3A_226 = arith.index_cast %parallel_loop3A_92 : i32 to index
      %parallel_loop3A_227 = arith.constant 96 : index
      %parallel_loop3A_228 = tpu.vector_load %arg7[%parallel_loop3A_226, %parallel_loop3A_227] {strides = array<i32>} : memref<128x128xf32, #tpu.memory_space<vmem>>, vector<1x16xf32>,
      %parallel_loop3A_229 = vector.shape_cast %parallel_loop3A_228 : vector<1x16xf32> to vector<16xf32>
      %parallel_loop3A_230 = vector.shape_cast %parallel_loop3A_225 : vector<16xf32> to vector<1x16xf32>
      tpu.vector_store %arg7[%parallel_loop3A_226, %parallel_loop3A_227], %parallel_loop3A_230 {strides = array<i32>} : memref<128x128xf32, #tpu.memory_space<vmem>>, vector<1x16xf32>,
      %parallel_loop3A_231 = arith.mulf %parallel_loop3A_140, %parallel_loop3A_188 : vector<16xf32>
      %parallel_loop3A_232 = arith.index_cast %parallel_loop3A_92 : i32 to index
      %parallel_loop3A_233 = arith.constant 112 : index
      %parallel_loop3A_234 = tpu.vector_load %arg7[%parallel_loop3A_232, %parallel_loop3A_233] {strides = array<i32>} : memref<128x128xf32, #tpu.memory_space<vmem>>, vector<1x16xf32>,
      %parallel_loop3A_235 = vector.shape_cast %parallel_loop3A_234 : vector<1x16xf32> to vector<16xf32>
      %parallel_loop3A_236 = vector.shape_cast %parallel_loop3A_231 : vector<16xf32> to vector<1x16xf32>
      tpu.vector_store %arg7[%parallel_loop3A_232, %parallel_loop3A_233], %parallel_loop3A_236 {strides = array<i32>} : memref<128x128xf32, #tpu.memory_space<vmem>>, vector<1x16xf32>,
    } {sc.loop_unroll_factor = 4 : i64, sc.parallel_access}
    %add3A_42 = arith.constant 128 : i32
    %add3A_43 = arith.addi %mul3A_2, %add3A_42 : i32
    %dma_start3A_44 = arith.constant 0 : i32
    %dma_start3A_45 = tpu.memref_slice %arg4[%add3A_43, %dma_start3A_44] : memref<16384x128xf32, #tpu.memory_space<hbm>> -> memref<128x128xf32, #tpu.memory_space<hbm>>
    %dma_start3A_46 = arith.constant 0 : i32
    %dma_start3A_47 = tpu.memref_slice %arg4[%add3A_43, %dma_start3A_46] : memref<16384x128xf32, #tpu.memory_space<hbm>> -> memref<128x128xf32, #tpu.memory_space<hbm>>
    tpu.enqueue_dma source(%arg7 : memref<128x128xf32, #tpu.memory_space<vmem>>) target(%dma_start3A_47 : memref<128x128xf32, #tpu.memory_space<hbm>>) target_semaphore(%arg15 : memref<!tpu.dma_semaphore, #tpu.memory_space<semaphore_mem>>)
    %dma_wait3A_48 = arith.constant 256 : i32
    %dma_wait3A_49 = tpu.memref_slice %arg5[%dma_wait3A_48] : memref<512xi32, #tpu.memory_space<vmem>> -> memref<128xi32, #tpu.memory_space<vmem>>
    %dma_wait3A_50 = arith.constant 0 : i32
    %dma_wait3A_51 = arith.constant 0 : i32
    %dma_wait3A_52 = tpu.memref_slice %arg3[%dma_wait3A_50, %dma_wait3A_51] : memref<100000x128xf32, #tpu.memory_space<hbm>> -> memref<100000x128xf32, #tpu.memory_space<hbm>>
    tpu.wait_indirect_dma semaphore(%arg12 : memref<!tpu.dma_semaphore, #tpu.memory_space<semaphore_mem>>) src(%dma_wait3A_52 : memref<100000x128xf32, #tpu.memory_space<hbm>>) dst(%arg8 : memref<128x128xf32, #tpu.memory_space<vmem>>)
    %parallel_loop3A_53 = arith.constant 0 : i32
    %parallel_loop3A_54 = arith.constant 128 : i32
    %parallel_loop3A_55 = arith.constant 1 : i32
    scf.for %parallel_loop3A_92 = %parallel_loop3A_53 to %parallel_loop3A_54 step %parallel_loop3A_55  : i32 {
      %parallel_loop3A_93 = arith.constant 0.000000e+00 : f32
      %parallel_loop3A_94 = vector.broadcast %parallel_loop3A_93 : f32 to vector<16xf32>
      %parallel_loop3A_95 = arith.index_cast %parallel_loop3A_92 : i32 to index
      %parallel_loop3A_96 = arith.constant 0 : index
      %parallel_loop3A_97 = tpu.vector_load %arg8[%parallel_loop3A_95, %parallel_loop3A_96] {strides = array<i32>} : memref<128x128xf32, #tpu.memory_space<vmem>>, vector<1x16xf32>,
      %parallel_loop3A_98 = vector.shape_cast %parallel_loop3A_97 : vector<1x16xf32> to vector<16xf32>
      %parallel_loop3A_99 = arith.mulf %parallel_loop3A_98, %parallel_loop3A_98 : vector<16xf32>
      %parallel_loop3A_100 = arith.addf %parallel_loop3A_94, %parallel_loop3A_99 : vector<16xf32>
      %parallel_loop3A_101 = arith.index_cast %parallel_loop3A_92 : i32 to index
      %parallel_loop3A_102 = arith.constant 16 : index
      %parallel_loop3A_103 = tpu.vector_load %arg8[%parallel_loop3A_101, %parallel_loop3A_102] {strides = array<i32>} : memref<128x128xf32, #tpu.memory_space<vmem>>, vector<1x16xf32>,
      %parallel_loop3A_104 = vector.shape_cast %parallel_loop3A_103 : vector<1x16xf32> to vector<16xf32>
      %parallel_loop3A_105 = arith.mulf %parallel_loop3A_104, %parallel_loop3A_104 : vector<16xf32>
      %parallel_loop3A_106 = arith.addf %parallel_loop3A_100, %parallel_loop3A_105 : vector<16xf32>
      %parallel_loop3A_107 = arith.index_cast %parallel_loop3A_92 : i32 to index
      %parallel_loop3A_108 = arith.constant 32 : index
      %parallel_loop3A_109 = tpu.vector_load %arg8[%parallel_loop3A_107, %parallel_loop3A_108] {strides = array<i32>} : memref<128x128xf32, #tpu.memory_space<vmem>>, vector<1x16xf32>,
      %parallel_loop3A_110 = vector.shape_cast %parallel_loop3A_109 : vector<1x16xf32> to vector<16xf32>
      %parallel_loop3A_111 = arith.mulf %parallel_loop3A_110, %parallel_loop3A_110 : vector<16xf32>
      %parallel_loop3A_112 = arith.addf %parallel_loop3A_106, %parallel_loop3A_111 : vector<16xf32>
      %parallel_loop3A_113 = arith.index_cast %parallel_loop3A_92 : i32 to index
      %parallel_loop3A_114 = arith.constant 48 : index
      %parallel_loop3A_115 = tpu.vector_load %arg8[%parallel_loop3A_113, %parallel_loop3A_114] {strides = array<i32>} : memref<128x128xf32, #tpu.memory_space<vmem>>, vector<1x16xf32>,
      %parallel_loop3A_116 = vector.shape_cast %parallel_loop3A_115 : vector<1x16xf32> to vector<16xf32>
      %parallel_loop3A_117 = arith.mulf %parallel_loop3A_116, %parallel_loop3A_116 : vector<16xf32>
      %parallel_loop3A_118 = arith.addf %parallel_loop3A_112, %parallel_loop3A_117 : vector<16xf32>
      %parallel_loop3A_119 = arith.index_cast %parallel_loop3A_92 : i32 to index
      %parallel_loop3A_120 = arith.constant 64 : index
      %parallel_loop3A_121 = tpu.vector_load %arg8[%parallel_loop3A_119, %parallel_loop3A_120] {strides = array<i32>} : memref<128x128xf32, #tpu.memory_space<vmem>>, vector<1x16xf32>,
      %parallel_loop3A_122 = vector.shape_cast %parallel_loop3A_121 : vector<1x16xf32> to vector<16xf32>
      %parallel_loop3A_123 = arith.mulf %parallel_loop3A_122, %parallel_loop3A_122 : vector<16xf32>
      %parallel_loop3A_124 = arith.addf %parallel_loop3A_118, %parallel_loop3A_123 : vector<16xf32>
      %parallel_loop3A_125 = arith.index_cast %parallel_loop3A_92 : i32 to index
      %parallel_loop3A_126 = arith.constant 80 : index
      %parallel_loop3A_127 = tpu.vector_load %arg8[%parallel_loop3A_125, %parallel_loop3A_126] {strides = array<i32>} : memref<128x128xf32, #tpu.memory_space<vmem>>, vector<1x16xf32>,
      %parallel_loop3A_128 = vector.shape_cast %parallel_loop3A_127 : vector<1x16xf32> to vector<16xf32>
      %parallel_loop3A_129 = arith.mulf %parallel_loop3A_128, %parallel_loop3A_128 : vector<16xf32>
      %parallel_loop3A_130 = arith.addf %parallel_loop3A_124, %parallel_loop3A_129 : vector<16xf32>
      %parallel_loop3A_131 = arith.index_cast %parallel_loop3A_92 : i32 to index
      %parallel_loop3A_132 = arith.constant 96 : index
      %parallel_loop3A_133 = tpu.vector_load %arg8[%parallel_loop3A_131, %parallel_loop3A_132] {strides = array<i32>} : memref<128x128xf32, #tpu.memory_space<vmem>>, vector<1x16xf32>,
      %parallel_loop3A_134 = vector.shape_cast %parallel_loop3A_133 : vector<1x16xf32> to vector<16xf32>
      %parallel_loop3A_135 = arith.mulf %parallel_loop3A_134, %parallel_loop3A_134 : vector<16xf32>
      %parallel_loop3A_136 = arith.addf %parallel_loop3A_130, %parallel_loop3A_135 : vector<16xf32>
      %parallel_loop3A_137 = arith.index_cast %parallel_loop3A_92 : i32 to index
      %parallel_loop3A_138 = arith.constant 112 : index
      %parallel_loop3A_139 = tpu.vector_load %arg8[%parallel_loop3A_137, %parallel_loop3A_138] {strides = array<i32>} : memref<128x128xf32, #tpu.memory_space<vmem>>, vector<1x16xf32>,
      %parallel_loop3A_140 = vector.shape_cast %parallel_loop3A_139 : vector<1x16xf32> to vector<16xf32>
      %parallel_loop3A_141 = arith.mulf %parallel_loop3A_140, %parallel_loop3A_140 : vector<16xf32>
      %parallel_loop3A_142 = arith.addf %parallel_loop3A_136, %parallel_loop3A_141 : vector<16xf32>
      %parallel_loop3A_143 = tpu.iota {dimensions = array<i32: 0>} : vector<16xi32>
      %parallel_loop3A_144 = arith.constant 8 : i32
      %parallel_loop3A_145 = vector.broadcast %parallel_loop3A_144 : i32 to vector<16xi32>
      %parallel_loop3A_146 = arith.xori %parallel_loop3A_143, %parallel_loop3A_145 : vector<16xi32>
      %parallel_loop3A_147 = vector.shape_cast %parallel_loop3A_146 : vector<16xi32> to vector<16x1xi32>
      %parallel_loop3A_148 = vector.shape_cast %parallel_loop3A_147 : vector<16x1xi32> to vector<16xi32>
      %parallel_loop3A_149 = tpu.dynamic_gather %parallel_loop3A_142[%parallel_loop3A_148] in [0] : vector<16xf32>, vector<16xi32> -> vector<16xf32>
      %parallel_loop3A_150 = arith.addf %parallel_loop3A_142, %parallel_loop3A_149 : vector<16xf32>
      %parallel_loop3A_151 = arith.constant 4 : i32
      %parallel_loop3A_152 = vector.broadcast %parallel_loop3A_151 : i32 to vector<16xi32>
      %parallel_loop3A_153 = arith.xori %parallel_loop3A_143, %parallel_loop3A_152 : vector<16xi32>
      %parallel_loop3A_154 = vector.shape_cast %parallel_loop3A_153 : vector<16xi32> to vector<16x1xi32>
      %parallel_loop3A_155 = vector.shape_cast %parallel_loop3A_154 : vector<16x1xi32> to vector<16xi32>
      %parallel_loop3A_156 = tpu.dynamic_gather %parallel_loop3A_150[%parallel_loop3A_155] in [0] : vector<16xf32>, vector<16xi32> -> vector<16xf32>
      %parallel_loop3A_157 = arith.addf %parallel_loop3A_150, %parallel_loop3A_156 : vector<16xf32>
      %parallel_loop3A_158 = arith.constant 2 : i32
      %parallel_loop3A_159 = vector.broadcast %parallel_loop3A_158 : i32 to vector<16xi32>
      %parallel_loop3A_160 = arith.xori %parallel_loop3A_143, %parallel_loop3A_159 : vector<16xi32>
      %parallel_loop3A_161 = vector.shape_cast %parallel_loop3A_160 : vector<16xi32> to vector<16x1xi32>
      %parallel_loop3A_162 = vector.shape_cast %parallel_loop3A_161 : vector<16x1xi32> to vector<16xi32>
      %parallel_loop3A_163 = tpu.dynamic_gather %parallel_loop3A_157[%parallel_loop3A_162] in [0] : vector<16xf32>, vector<16xi32> -> vector<16xf32>
      %parallel_loop3A_164 = arith.addf %parallel_loop3A_157, %parallel_loop3A_163 : vector<16xf32>
      %parallel_loop3A_165 = arith.constant 1 : i32
      %parallel_loop3A_166 = vector.broadcast %parallel_loop3A_165 : i32 to vector<16xi32>
      %parallel_loop3A_167 = arith.xori %parallel_loop3A_143, %parallel_loop3A_166 : vector<16xi32>
      %parallel_loop3A_168 = vector.shape_cast %parallel_loop3A_167 : vector<16xi32> to vector<16x1xi32>
      %parallel_loop3A_169 = vector.shape_cast %parallel_loop3A_168 : vector<16x1xi32> to vector<16xi32>
      %parallel_loop3A_170 = tpu.dynamic_gather %parallel_loop3A_164[%parallel_loop3A_169] in [0] : vector<16xf32>, vector<16xi32> -> vector<16xf32>
      %parallel_loop3A_171 = arith.addf %parallel_loop3A_164, %parallel_loop3A_170 : vector<16xf32>
      %parallel_loop3A_172 = tpu.bitcast %parallel_loop3A_171 : vector<16xf32> -> vector<16xi32>
      %parallel_loop3A_173 = arith.constant 1597463007 : i32
      %parallel_loop3A_174 = vector.broadcast %parallel_loop3A_173 : i32 to vector<16xi32>
      %parallel_loop3A_175 = arith.constant 1 : i32
      %parallel_loop3A_176 = vector.broadcast %parallel_loop3A_175 : i32 to vector<16xi32>
      %parallel_loop3A_177 = arith.shrui %parallel_loop3A_172, %parallel_loop3A_176 : vector<16xi32>
      %parallel_loop3A_178 = arith.subi %parallel_loop3A_174, %parallel_loop3A_177 : vector<16xi32>
      %parallel_loop3A_179 = tpu.bitcast %parallel_loop3A_178 : vector<16xi32> -> vector<16xf32>
      %parallel_loop3A_180 = arith.constant 5.000000e-01 : f32
      %parallel_loop3A_181 = vector.broadcast %parallel_loop3A_180 : f32 to vector<16xf32>
      %parallel_loop3A_182 = arith.mulf %parallel_loop3A_171, %parallel_loop3A_181 : vector<16xf32>
      %parallel_loop3A_183 = arith.mulf %parallel_loop3A_182, %parallel_loop3A_179 : vector<16xf32>
      %parallel_loop3A_184 = arith.mulf %parallel_loop3A_183, %parallel_loop3A_179 : vector<16xf32>
      %parallel_loop3A_185 = arith.constant 1.500000e+00 : f32
      %parallel_loop3A_186 = vector.broadcast %parallel_loop3A_185 : f32 to vector<16xf32>
      %parallel_loop3A_187 = arith.subf %parallel_loop3A_186, %parallel_loop3A_184 : vector<16xf32>
      %parallel_loop3A_188 = arith.mulf %parallel_loop3A_179, %parallel_loop3A_187 : vector<16xf32>
      %parallel_loop3A_189 = arith.mulf %parallel_loop3A_98, %parallel_loop3A_188 : vector<16xf32>
      %parallel_loop3A_190 = arith.index_cast %parallel_loop3A_92 : i32 to index
      %parallel_loop3A_191 = arith.constant 0 : index
      %parallel_loop3A_192 = tpu.vector_load %arg8[%parallel_loop3A_190, %parallel_loop3A_191] {strides = array<i32>} : memref<128x128xf32, #tpu.memory_space<vmem>>, vector<1x16xf32>,
      %parallel_loop3A_193 = vector.shape_cast %parallel_loop3A_192 : vector<1x16xf32> to vector<16xf32>
      %parallel_loop3A_194 = vector.shape_cast %parallel_loop3A_189 : vector<16xf32> to vector<1x16xf32>
      tpu.vector_store %arg8[%parallel_loop3A_190, %parallel_loop3A_191], %parallel_loop3A_194 {strides = array<i32>} : memref<128x128xf32, #tpu.memory_space<vmem>>, vector<1x16xf32>,
      %parallel_loop3A_195 = arith.mulf %parallel_loop3A_104, %parallel_loop3A_188 : vector<16xf32>
      %parallel_loop3A_196 = arith.index_cast %parallel_loop3A_92 : i32 to index
      %parallel_loop3A_197 = arith.constant 16 : index
      %parallel_loop3A_198 = tpu.vector_load %arg8[%parallel_loop3A_196, %parallel_loop3A_197] {strides = array<i32>} : memref<128x128xf32, #tpu.memory_space<vmem>>, vector<1x16xf32>,
      %parallel_loop3A_199 = vector.shape_cast %parallel_loop3A_198 : vector<1x16xf32> to vector<16xf32>
      %parallel_loop3A_200 = vector.shape_cast %parallel_loop3A_195 : vector<16xf32> to vector<1x16xf32>
      tpu.vector_store %arg8[%parallel_loop3A_196, %parallel_loop3A_197], %parallel_loop3A_200 {strides = array<i32>} : memref<128x128xf32, #tpu.memory_space<vmem>>, vector<1x16xf32>,
      %parallel_loop3A_201 = arith.mulf %parallel_loop3A_110, %parallel_loop3A_188 : vector<16xf32>
      %parallel_loop3A_202 = arith.index_cast %parallel_loop3A_92 : i32 to index
      %parallel_loop3A_203 = arith.constant 32 : index
      %parallel_loop3A_204 = tpu.vector_load %arg8[%parallel_loop3A_202, %parallel_loop3A_203] {strides = array<i32>} : memref<128x128xf32, #tpu.memory_space<vmem>>, vector<1x16xf32>,
      %parallel_loop3A_205 = vector.shape_cast %parallel_loop3A_204 : vector<1x16xf32> to vector<16xf32>
      %parallel_loop3A_206 = vector.shape_cast %parallel_loop3A_201 : vector<16xf32> to vector<1x16xf32>
      tpu.vector_store %arg8[%parallel_loop3A_202, %parallel_loop3A_203], %parallel_loop3A_206 {strides = array<i32>} : memref<128x128xf32, #tpu.memory_space<vmem>>, vector<1x16xf32>,
      %parallel_loop3A_207 = arith.mulf %parallel_loop3A_116, %parallel_loop3A_188 : vector<16xf32>
      %parallel_loop3A_208 = arith.index_cast %parallel_loop3A_92 : i32 to index
      %parallel_loop3A_209 = arith.constant 48 : index
      %parallel_loop3A_210 = tpu.vector_load %arg8[%parallel_loop3A_208, %parallel_loop3A_209] {strides = array<i32>} : memref<128x128xf32, #tpu.memory_space<vmem>>, vector<1x16xf32>,
      %parallel_loop3A_211 = vector.shape_cast %parallel_loop3A_210 : vector<1x16xf32> to vector<16xf32>
      %parallel_loop3A_212 = vector.shape_cast %parallel_loop3A_207 : vector<16xf32> to vector<1x16xf32>
      tpu.vector_store %arg8[%parallel_loop3A_208, %parallel_loop3A_209], %parallel_loop3A_212 {strides = array<i32>} : memref<128x128xf32, #tpu.memory_space<vmem>>, vector<1x16xf32>,
      %parallel_loop3A_213 = arith.mulf %parallel_loop3A_122, %parallel_loop3A_188 : vector<16xf32>
      %parallel_loop3A_214 = arith.index_cast %parallel_loop3A_92 : i32 to index
      %parallel_loop3A_215 = arith.constant 64 : index
      %parallel_loop3A_216 = tpu.vector_load %arg8[%parallel_loop3A_214, %parallel_loop3A_215] {strides = array<i32>} : memref<128x128xf32, #tpu.memory_space<vmem>>, vector<1x16xf32>,
      %parallel_loop3A_217 = vector.shape_cast %parallel_loop3A_216 : vector<1x16xf32> to vector<16xf32>
      %parallel_loop3A_218 = vector.shape_cast %parallel_loop3A_213 : vector<16xf32> to vector<1x16xf32>
      tpu.vector_store %arg8[%parallel_loop3A_214, %parallel_loop3A_215], %parallel_loop3A_218 {strides = array<i32>} : memref<128x128xf32, #tpu.memory_space<vmem>>, vector<1x16xf32>,
      %parallel_loop3A_219 = arith.mulf %parallel_loop3A_128, %parallel_loop3A_188 : vector<16xf32>
      %parallel_loop3A_220 = arith.index_cast %parallel_loop3A_92 : i32 to index
      %parallel_loop3A_221 = arith.constant 80 : index
      %parallel_loop3A_222 = tpu.vector_load %arg8[%parallel_loop3A_220, %parallel_loop3A_221] {strides = array<i32>} : memref<128x128xf32, #tpu.memory_space<vmem>>, vector<1x16xf32>,
      %parallel_loop3A_223 = vector.shape_cast %parallel_loop3A_222 : vector<1x16xf32> to vector<16xf32>
      %parallel_loop3A_224 = vector.shape_cast %parallel_loop3A_219 : vector<16xf32> to vector<1x16xf32>
      tpu.vector_store %arg8[%parallel_loop3A_220, %parallel_loop3A_221], %parallel_loop3A_224 {strides = array<i32>} : memref<128x128xf32, #tpu.memory_space<vmem>>, vector<1x16xf32>,
      %parallel_loop3A_225 = arith.mulf %parallel_loop3A_134, %parallel_loop3A_188 : vector<16xf32>
      %parallel_loop3A_226 = arith.index_cast %parallel_loop3A_92 : i32 to index
      %parallel_loop3A_227 = arith.constant 96 : index
      %parallel_loop3A_228 = tpu.vector_load %arg8[%parallel_loop3A_226, %parallel_loop3A_227] {strides = array<i32>} : memref<128x128xf32, #tpu.memory_space<vmem>>, vector<1x16xf32>,
      %parallel_loop3A_229 = vector.shape_cast %parallel_loop3A_228 : vector<1x16xf32> to vector<16xf32>
      %parallel_loop3A_230 = vector.shape_cast %parallel_loop3A_225 : vector<16xf32> to vector<1x16xf32>
      tpu.vector_store %arg8[%parallel_loop3A_226, %parallel_loop3A_227], %parallel_loop3A_230 {strides = array<i32>} : memref<128x128xf32, #tpu.memory_space<vmem>>, vector<1x16xf32>,
      %parallel_loop3A_231 = arith.mulf %parallel_loop3A_140, %parallel_loop3A_188 : vector<16xf32>
      %parallel_loop3A_232 = arith.index_cast %parallel_loop3A_92 : i32 to index
      %parallel_loop3A_233 = arith.constant 112 : index
      %parallel_loop3A_234 = tpu.vector_load %arg8[%parallel_loop3A_232, %parallel_loop3A_233] {strides = array<i32>} : memref<128x128xf32, #tpu.memory_space<vmem>>, vector<1x16xf32>,
      %parallel_loop3A_235 = vector.shape_cast %parallel_loop3A_234 : vector<1x16xf32> to vector<16xf32>
      %parallel_loop3A_236 = vector.shape_cast %parallel_loop3A_231 : vector<16xf32> to vector<1x16xf32>
      tpu.vector_store %arg8[%parallel_loop3A_232, %parallel_loop3A_233], %parallel_loop3A_236 {strides = array<i32>} : memref<128x128xf32, #tpu.memory_space<vmem>>, vector<1x16xf32>,
    } {sc.loop_unroll_factor = 4 : i64, sc.parallel_access}
    %add3A_56 = arith.constant 256 : i32
    %add3A_57 = arith.addi %mul3A_2, %add3A_56 : i32
    %dma_start3A_58 = arith.constant 0 : i32
    %dma_start3A_59 = tpu.memref_slice %arg4[%add3A_57, %dma_start3A_58] : memref<16384x128xf32, #tpu.memory_space<hbm>> -> memref<128x128xf32, #tpu.memory_space<hbm>>
    %dma_start3A_60 = arith.constant 0 : i32
    %dma_start3A_61 = tpu.memref_slice %arg4[%add3A_57, %dma_start3A_60] : memref<16384x128xf32, #tpu.memory_space<hbm>> -> memref<128x128xf32, #tpu.memory_space<hbm>>
    tpu.enqueue_dma source(%arg8 : memref<128x128xf32, #tpu.memory_space<vmem>>) target(%dma_start3A_61 : memref<128x128xf32, #tpu.memory_space<hbm>>) target_semaphore(%arg16 : memref<!tpu.dma_semaphore, #tpu.memory_space<semaphore_mem>>)
    %dma_wait3A_62 = arith.constant 384 : i32
    %dma_wait3A_63 = tpu.memref_slice %arg5[%dma_wait3A_62] : memref<512xi32, #tpu.memory_space<vmem>> -> memref<128xi32, #tpu.memory_space<vmem>>
    %dma_wait3A_64 = arith.constant 0 : i32
    %dma_wait3A_65 = arith.constant 0 : i32
    %dma_wait3A_66 = tpu.memref_slice %arg3[%dma_wait3A_64, %dma_wait3A_65] : memref<100000x128xf32, #tpu.memory_space<hbm>> -> memref<100000x128xf32, #tpu.memory_space<hbm>>
    tpu.wait_indirect_dma semaphore(%arg13 : memref<!tpu.dma_semaphore, #tpu.memory_space<semaphore_mem>>) src(%dma_wait3A_66 : memref<100000x128xf32, #tpu.memory_space<hbm>>) dst(%arg9 : memref<128x128xf32, #tpu.memory_space<vmem>>)
    %parallel_loop3A_67 = arith.constant 0 : i32
    %parallel_loop3A_68 = arith.constant 128 : i32
    %parallel_loop3A_69 = arith.constant 1 : i32
    scf.for %parallel_loop3A_92 = %parallel_loop3A_67 to %parallel_loop3A_68 step %parallel_loop3A_69  : i32 {
      %parallel_loop3A_93 = arith.constant 0.000000e+00 : f32
      %parallel_loop3A_94 = vector.broadcast %parallel_loop3A_93 : f32 to vector<16xf32>
      %parallel_loop3A_95 = arith.index_cast %parallel_loop3A_92 : i32 to index
      %parallel_loop3A_96 = arith.constant 0 : index
      %parallel_loop3A_97 = tpu.vector_load %arg9[%parallel_loop3A_95, %parallel_loop3A_96] {strides = array<i32>} : memref<128x128xf32, #tpu.memory_space<vmem>>, vector<1x16xf32>,
      %parallel_loop3A_98 = vector.shape_cast %parallel_loop3A_97 : vector<1x16xf32> to vector<16xf32>
      %parallel_loop3A_99 = arith.mulf %parallel_loop3A_98, %parallel_loop3A_98 : vector<16xf32>
      %parallel_loop3A_100 = arith.addf %parallel_loop3A_94, %parallel_loop3A_99 : vector<16xf32>
      %parallel_loop3A_101 = arith.index_cast %parallel_loop3A_92 : i32 to index
      %parallel_loop3A_102 = arith.constant 16 : index
      %parallel_loop3A_103 = tpu.vector_load %arg9[%parallel_loop3A_101, %parallel_loop3A_102] {strides = array<i32>} : memref<128x128xf32, #tpu.memory_space<vmem>>, vector<1x16xf32>,
      %parallel_loop3A_104 = vector.shape_cast %parallel_loop3A_103 : vector<1x16xf32> to vector<16xf32>
      %parallel_loop3A_105 = arith.mulf %parallel_loop3A_104, %parallel_loop3A_104 : vector<16xf32>
      %parallel_loop3A_106 = arith.addf %parallel_loop3A_100, %parallel_loop3A_105 : vector<16xf32>
      %parallel_loop3A_107 = arith.index_cast %parallel_loop3A_92 : i32 to index
      %parallel_loop3A_108 = arith.constant 32 : index
      %parallel_loop3A_109 = tpu.vector_load %arg9[%parallel_loop3A_107, %parallel_loop3A_108] {strides = array<i32>} : memref<128x128xf32, #tpu.memory_space<vmem>>, vector<1x16xf32>,
      %parallel_loop3A_110 = vector.shape_cast %parallel_loop3A_109 : vector<1x16xf32> to vector<16xf32>
      %parallel_loop3A_111 = arith.mulf %parallel_loop3A_110, %parallel_loop3A_110 : vector<16xf32>
      %parallel_loop3A_112 = arith.addf %parallel_loop3A_106, %parallel_loop3A_111 : vector<16xf32>
      %parallel_loop3A_113 = arith.index_cast %parallel_loop3A_92 : i32 to index
      %parallel_loop3A_114 = arith.constant 48 : index
      %parallel_loop3A_115 = tpu.vector_load %arg9[%parallel_loop3A_113, %parallel_loop3A_114] {strides = array<i32>} : memref<128x128xf32, #tpu.memory_space<vmem>>, vector<1x16xf32>,
      %parallel_loop3A_116 = vector.shape_cast %parallel_loop3A_115 : vector<1x16xf32> to vector<16xf32>
      %parallel_loop3A_117 = arith.mulf %parallel_loop3A_116, %parallel_loop3A_116 : vector<16xf32>
      %parallel_loop3A_118 = arith.addf %parallel_loop3A_112, %parallel_loop3A_117 : vector<16xf32>
      %parallel_loop3A_119 = arith.index_cast %parallel_loop3A_92 : i32 to index
      %parallel_loop3A_120 = arith.constant 64 : index
      %parallel_loop3A_121 = tpu.vector_load %arg9[%parallel_loop3A_119, %parallel_loop3A_120] {strides = array<i32>} : memref<128x128xf32, #tpu.memory_space<vmem>>, vector<1x16xf32>,
      %parallel_loop3A_122 = vector.shape_cast %parallel_loop3A_121 : vector<1x16xf32> to vector<16xf32>
      %parallel_loop3A_123 = arith.mulf %parallel_loop3A_122, %parallel_loop3A_122 : vector<16xf32>
      %parallel_loop3A_124 = arith.addf %parallel_loop3A_118, %parallel_loop3A_123 : vector<16xf32>
      %parallel_loop3A_125 = arith.index_cast %parallel_loop3A_92 : i32 to index
      %parallel_loop3A_126 = arith.constant 80 : index
      %parallel_loop3A_127 = tpu.vector_load %arg9[%parallel_loop3A_125, %parallel_loop3A_126] {strides = array<i32>} : memref<128x128xf32, #tpu.memory_space<vmem>>, vector<1x16xf32>,
      %parallel_loop3A_128 = vector.shape_cast %parallel_loop3A_127 : vector<1x16xf32> to vector<16xf32>
      %parallel_loop3A_129 = arith.mulf %parallel_loop3A_128, %parallel_loop3A_128 : vector<16xf32>
      %parallel_loop3A_130 = arith.addf %parallel_loop3A_124, %parallel_loop3A_129 : vector<16xf32>
      %parallel_loop3A_131 = arith.index_cast %parallel_loop3A_92 : i32 to index
      %parallel_loop3A_132 = arith.constant 96 : index
      %parallel_loop3A_133 = tpu.vector_load %arg9[%parallel_loop3A_131, %parallel_loop3A_132] {strides = array<i32>} : memref<128x128xf32, #tpu.memory_space<vmem>>, vector<1x16xf32>,
      %parallel_loop3A_134 = vector.shape_cast %parallel_loop3A_133 : vector<1x16xf32> to vector<16xf32>
      %parallel_loop3A_135 = arith.mulf %parallel_loop3A_134, %parallel_loop3A_134 : vector<16xf32>
      %parallel_loop3A_136 = arith.addf %parallel_loop3A_130, %parallel_loop3A_135 : vector<16xf32>
      %parallel_loop3A_137 = arith.index_cast %parallel_loop3A_92 : i32 to index
      %parallel_loop3A_138 = arith.constant 112 : index
      %parallel_loop3A_139 = tpu.vector_load %arg9[%parallel_loop3A_137, %parallel_loop3A_138] {strides = array<i32>} : memref<128x128xf32, #tpu.memory_space<vmem>>, vector<1x16xf32>,
      %parallel_loop3A_140 = vector.shape_cast %parallel_loop3A_139 : vector<1x16xf32> to vector<16xf32>
      %parallel_loop3A_141 = arith.mulf %parallel_loop3A_140, %parallel_loop3A_140 : vector<16xf32>
      %parallel_loop3A_142 = arith.addf %parallel_loop3A_136, %parallel_loop3A_141 : vector<16xf32>
      %parallel_loop3A_143 = tpu.iota {dimensions = array<i32: 0>} : vector<16xi32>
      %parallel_loop3A_144 = arith.constant 8 : i32
      %parallel_loop3A_145 = vector.broadcast %parallel_loop3A_144 : i32 to vector<16xi32>
      %parallel_loop3A_146 = arith.xori %parallel_loop3A_143, %parallel_loop3A_145 : vector<16xi32>
      %parallel_loop3A_147 = vector.shape_cast %parallel_loop3A_146 : vector<16xi32> to vector<16x1xi32>
      %parallel_loop3A_148 = vector.shape_cast %parallel_loop3A_147 : vector<16x1xi32> to vector<16xi32>
      %parallel_loop3A_149 = tpu.dynamic_gather %parallel_loop3A_142[%parallel_loop3A_148] in [0] : vector<16xf32>, vector<16xi32> -> vector<16xf32>
      %parallel_loop3A_150 = arith.addf %parallel_loop3A_142, %parallel_loop3A_149 : vector<16xf32>
      %parallel_loop3A_151 = arith.constant 4 : i32
      %parallel_loop3A_152 = vector.broadcast %parallel_loop3A_151 : i32 to vector<16xi32>
      %parallel_loop3A_153 = arith.xori %parallel_loop3A_143, %parallel_loop3A_152 : vector<16xi32>
      %parallel_loop3A_154 = vector.shape_cast %parallel_loop3A_153 : vector<16xi32> to vector<16x1xi32>
      %parallel_loop3A_155 = vector.shape_cast %parallel_loop3A_154 : vector<16x1xi32> to vector<16xi32>
      %parallel_loop3A_156 = tpu.dynamic_gather %parallel_loop3A_150[%parallel_loop3A_155] in [0] : vector<16xf32>, vector<16xi32> -> vector<16xf32>
      %parallel_loop3A_157 = arith.addf %parallel_loop3A_150, %parallel_loop3A_156 : vector<16xf32>
      %parallel_loop3A_158 = arith.constant 2 : i32
      %parallel_loop3A_159 = vector.broadcast %parallel_loop3A_158 : i32 to vector<16xi32>
      %parallel_loop3A_160 = arith.xori %parallel_loop3A_143, %parallel_loop3A_159 : vector<16xi32>
      %parallel_loop3A_161 = vector.shape_cast %parallel_loop3A_160 : vector<16xi32> to vector<16x1xi32>
      %parallel_loop3A_162 = vector.shape_cast %parallel_loop3A_161 : vector<16x1xi32> to vector<16xi32>
      %parallel_loop3A_163 = tpu.dynamic_gather %parallel_loop3A_157[%parallel_loop3A_162] in [0] : vector<16xf32>, vector<16xi32> -> vector<16xf32>
      %parallel_loop3A_164 = arith.addf %parallel_loop3A_157, %parallel_loop3A_163 : vector<16xf32>
      %parallel_loop3A_165 = arith.constant 1 : i32
      %parallel_loop3A_166 = vector.broadcast %parallel_loop3A_165 : i32 to vector<16xi32>
      %parallel_loop3A_167 = arith.xori %parallel_loop3A_143, %parallel_loop3A_166 : vector<16xi32>
      %parallel_loop3A_168 = vector.shape_cast %parallel_loop3A_167 : vector<16xi32> to vector<16x1xi32>
      %parallel_loop3A_169 = vector.shape_cast %parallel_loop3A_168 : vector<16x1xi32> to vector<16xi32>
      %parallel_loop3A_170 = tpu.dynamic_gather %parallel_loop3A_164[%parallel_loop3A_169] in [0] : vector<16xf32>, vector<16xi32> -> vector<16xf32>
      %parallel_loop3A_171 = arith.addf %parallel_loop3A_164, %parallel_loop3A_170 : vector<16xf32>
      %parallel_loop3A_172 = tpu.bitcast %parallel_loop3A_171 : vector<16xf32> -> vector<16xi32>
      %parallel_loop3A_173 = arith.constant 1597463007 : i32
      %parallel_loop3A_174 = vector.broadcast %parallel_loop3A_173 : i32 to vector<16xi32>
      %parallel_loop3A_175 = arith.constant 1 : i32
      %parallel_loop3A_176 = vector.broadcast %parallel_loop3A_175 : i32 to vector<16xi32>
      %parallel_loop3A_177 = arith.shrui %parallel_loop3A_172, %parallel_loop3A_176 : vector<16xi32>
      %parallel_loop3A_178 = arith.subi %parallel_loop3A_174, %parallel_loop3A_177 : vector<16xi32>
      %parallel_loop3A_179 = tpu.bitcast %parallel_loop3A_178 : vector<16xi32> -> vector<16xf32>
      %parallel_loop3A_180 = arith.constant 5.000000e-01 : f32
      %parallel_loop3A_181 = vector.broadcast %parallel_loop3A_180 : f32 to vector<16xf32>
      %parallel_loop3A_182 = arith.mulf %parallel_loop3A_171, %parallel_loop3A_181 : vector<16xf32>
      %parallel_loop3A_183 = arith.mulf %parallel_loop3A_182, %parallel_loop3A_179 : vector<16xf32>
      %parallel_loop3A_184 = arith.mulf %parallel_loop3A_183, %parallel_loop3A_179 : vector<16xf32>
      %parallel_loop3A_185 = arith.constant 1.500000e+00 : f32
      %parallel_loop3A_186 = vector.broadcast %parallel_loop3A_185 : f32 to vector<16xf32>
      %parallel_loop3A_187 = arith.subf %parallel_loop3A_186, %parallel_loop3A_184 : vector<16xf32>
      %parallel_loop3A_188 = arith.mulf %parallel_loop3A_179, %parallel_loop3A_187 : vector<16xf32>
      %parallel_loop3A_189 = arith.mulf %parallel_loop3A_98, %parallel_loop3A_188 : vector<16xf32>
      %parallel_loop3A_190 = arith.index_cast %parallel_loop3A_92 : i32 to index
      %parallel_loop3A_191 = arith.constant 0 : index
      %parallel_loop3A_192 = tpu.vector_load %arg9[%parallel_loop3A_190, %parallel_loop3A_191] {strides = array<i32>} : memref<128x128xf32, #tpu.memory_space<vmem>>, vector<1x16xf32>,
      %parallel_loop3A_193 = vector.shape_cast %parallel_loop3A_192 : vector<1x16xf32> to vector<16xf32>
      %parallel_loop3A_194 = vector.shape_cast %parallel_loop3A_189 : vector<16xf32> to vector<1x16xf32>
      tpu.vector_store %arg9[%parallel_loop3A_190, %parallel_loop3A_191], %parallel_loop3A_194 {strides = array<i32>} : memref<128x128xf32, #tpu.memory_space<vmem>>, vector<1x16xf32>,
      %parallel_loop3A_195 = arith.mulf %parallel_loop3A_104, %parallel_loop3A_188 : vector<16xf32>
      %parallel_loop3A_196 = arith.index_cast %parallel_loop3A_92 : i32 to index
      %parallel_loop3A_197 = arith.constant 16 : index
      %parallel_loop3A_198 = tpu.vector_load %arg9[%parallel_loop3A_196, %parallel_loop3A_197] {strides = array<i32>} : memref<128x128xf32, #tpu.memory_space<vmem>>, vector<1x16xf32>,
      %parallel_loop3A_199 = vector.shape_cast %parallel_loop3A_198 : vector<1x16xf32> to vector<16xf32>
      %parallel_loop3A_200 = vector.shape_cast %parallel_loop3A_195 : vector<16xf32> to vector<1x16xf32>
      tpu.vector_store %arg9[%parallel_loop3A_196, %parallel_loop3A_197], %parallel_loop3A_200 {strides = array<i32>} : memref<128x128xf32, #tpu.memory_space<vmem>>, vector<1x16xf32>,
      %parallel_loop3A_201 = arith.mulf %parallel_loop3A_110, %parallel_loop3A_188 : vector<16xf32>
      %parallel_loop3A_202 = arith.index_cast %parallel_loop3A_92 : i32 to index
      %parallel_loop3A_203 = arith.constant 32 : index
      %parallel_loop3A_204 = tpu.vector_load %arg9[%parallel_loop3A_202, %parallel_loop3A_203] {strides = array<i32>} : memref<128x128xf32, #tpu.memory_space<vmem>>, vector<1x16xf32>,
      %parallel_loop3A_205 = vector.shape_cast %parallel_loop3A_204 : vector<1x16xf32> to vector<16xf32>
      %parallel_loop3A_206 = vector.shape_cast %parallel_loop3A_201 : vector<16xf32> to vector<1x16xf32>
      tpu.vector_store %arg9[%parallel_loop3A_202, %parallel_loop3A_203], %parallel_loop3A_206 {strides = array<i32>} : memref<128x128xf32, #tpu.memory_space<vmem>>, vector<1x16xf32>,
      %parallel_loop3A_207 = arith.mulf %parallel_loop3A_116, %parallel_loop3A_188 : vector<16xf32>
      %parallel_loop3A_208 = arith.index_cast %parallel_loop3A_92 : i32 to index
      %parallel_loop3A_209 = arith.constant 48 : index
      %parallel_loop3A_210 = tpu.vector_load %arg9[%parallel_loop3A_208, %parallel_loop3A_209] {strides = array<i32>} : memref<128x128xf32, #tpu.memory_space<vmem>>, vector<1x16xf32>,
      %parallel_loop3A_211 = vector.shape_cast %parallel_loop3A_210 : vector<1x16xf32> to vector<16xf32>
      %parallel_loop3A_212 = vector.shape_cast %parallel_loop3A_207 : vector<16xf32> to vector<1x16xf32>
      tpu.vector_store %arg9[%parallel_loop3A_208, %parallel_loop3A_209], %parallel_loop3A_212 {strides = array<i32>} : memref<128x128xf32, #tpu.memory_space<vmem>>, vector<1x16xf32>,
      %parallel_loop3A_213 = arith.mulf %parallel_loop3A_122, %parallel_loop3A_188 : vector<16xf32>
      %parallel_loop3A_214 = arith.index_cast %parallel_loop3A_92 : i32 to index
      %parallel_loop3A_215 = arith.constant 64 : index
      %parallel_loop3A_216 = tpu.vector_load %arg9[%parallel_loop3A_214, %parallel_loop3A_215] {strides = array<i32>} : memref<128x128xf32, #tpu.memory_space<vmem>>, vector<1x16xf32>,
      %parallel_loop3A_217 = vector.shape_cast %parallel_loop3A_216 : vector<1x16xf32> to vector<16xf32>
      %parallel_loop3A_218 = vector.shape_cast %parallel_loop3A_213 : vector<16xf32> to vector<1x16xf32>
      tpu.vector_store %arg9[%parallel_loop3A_214, %parallel_loop3A_215], %parallel_loop3A_218 {strides = array<i32>} : memref<128x128xf32, #tpu.memory_space<vmem>>, vector<1x16xf32>,
      %parallel_loop3A_219 = arith.mulf %parallel_loop3A_128, %parallel_loop3A_188 : vector<16xf32>
      %parallel_loop3A_220 = arith.index_cast %parallel_loop3A_92 : i32 to index
      %parallel_loop3A_221 = arith.constant 80 : index
      %parallel_loop3A_222 = tpu.vector_load %arg9[%parallel_loop3A_220, %parallel_loop3A_221] {strides = array<i32>} : memref<128x128xf32, #tpu.memory_space<vmem>>, vector<1x16xf32>,
      %parallel_loop3A_223 = vector.shape_cast %parallel_loop3A_222 : vector<1x16xf32> to vector<16xf32>
      %parallel_loop3A_224 = vector.shape_cast %parallel_loop3A_219 : vector<16xf32> to vector<1x16xf32>
      tpu.vector_store %arg9[%parallel_loop3A_220, %parallel_loop3A_221], %parallel_loop3A_224 {strides = array<i32>} : memref<128x128xf32, #tpu.memory_space<vmem>>, vector<1x16xf32>,
      %parallel_loop3A_225 = arith.mulf %parallel_loop3A_134, %parallel_loop3A_188 : vector<16xf32>
      %parallel_loop3A_226 = arith.index_cast %parallel_loop3A_92 : i32 to index
      %parallel_loop3A_227 = arith.constant 96 : index
      %parallel_loop3A_228 = tpu.vector_load %arg9[%parallel_loop3A_226, %parallel_loop3A_227] {strides = array<i32>} : memref<128x128xf32, #tpu.memory_space<vmem>>, vector<1x16xf32>,
      %parallel_loop3A_229 = vector.shape_cast %parallel_loop3A_228 : vector<1x16xf32> to vector<16xf32>
      %parallel_loop3A_230 = vector.shape_cast %parallel_loop3A_225 : vector<16xf32> to vector<1x16xf32>
      tpu.vector_store %arg9[%parallel_loop3A_226, %parallel_loop3A_227], %parallel_loop3A_230 {strides = array<i32>} : memref<128x128xf32, #tpu.memory_space<vmem>>, vector<1x16xf32>,
      %parallel_loop3A_231 = arith.mulf %parallel_loop3A_140, %parallel_loop3A_188 : vector<16xf32>
      %parallel_loop3A_232 = arith.index_cast %parallel_loop3A_92 : i32 to index
      %parallel_loop3A_233 = arith.constant 112 : index
      %parallel_loop3A_234 = tpu.vector_load %arg9[%parallel_loop3A_232, %parallel_loop3A_233] {strides = array<i32>} : memref<128x128xf32, #tpu.memory_space<vmem>>, vector<1x16xf32>,
      %parallel_loop3A_235 = vector.shape_cast %parallel_loop3A_234 : vector<1x16xf32> to vector<16xf32>
      %parallel_loop3A_236 = vector.shape_cast %parallel_loop3A_231 : vector<16xf32> to vector<1x16xf32>
      tpu.vector_store %arg9[%parallel_loop3A_232, %parallel_loop3A_233], %parallel_loop3A_236 {strides = array<i32>} : memref<128x128xf32, #tpu.memory_space<vmem>>, vector<1x16xf32>,
    } {sc.loop_unroll_factor = 4 : i64, sc.parallel_access}
    %add3A_70 = arith.constant 384 : i32
    %add3A_71 = arith.addi %mul3A_2, %add3A_70 : i32
    %dma_start3A_72 = arith.constant 0 : i32
    %dma_start3A_73 = tpu.memref_slice %arg4[%add3A_71, %dma_start3A_72] : memref<16384x128xf32, #tpu.memory_space<hbm>> -> memref<128x128xf32, #tpu.memory_space<hbm>>
    %dma_start3A_74 = arith.constant 0 : i32
    %dma_start3A_75 = tpu.memref_slice %arg4[%add3A_71, %dma_start3A_74] : memref<16384x128xf32, #tpu.memory_space<hbm>> -> memref<128x128xf32, #tpu.memory_space<hbm>>
    tpu.enqueue_dma source(%arg9 : memref<128x128xf32, #tpu.memory_space<vmem>>) target(%dma_start3A_75 : memref<128x128xf32, #tpu.memory_space<hbm>>) target_semaphore(%arg17 : memref<!tpu.dma_semaphore, #tpu.memory_space<semaphore_mem>>)
    %dma_wait3A_76 = arith.constant 0 : i32
    %dma_wait3A_77 = tpu.memref_slice %arg4[%add3A_29, %dma_wait3A_76] : memref<16384x128xf32, #tpu.memory_space<hbm>> -> memref<128x128xf32, #tpu.memory_space<hbm>>
    %dma_wait3A_78 = arith.constant 0 : i32
    %dma_wait3A_79 = tpu.memref_slice %arg4[%add3A_29, %dma_wait3A_78] : memref<16384x128xf32, #tpu.memory_space<hbm>> -> memref<128x128xf32, #tpu.memory_space<hbm>>
    tpu.wait_dma2 semaphore(%arg14 : memref<!tpu.dma_semaphore, #tpu.memory_space<semaphore_mem>>) src(%arg6 : memref<128x128xf32, #tpu.memory_space<vmem>>) dst(%dma_wait3A_79 : memref<128x128xf32, #tpu.memory_space<hbm>>)
    %dma_wait3A_80 = arith.constant 0 : i32
    %dma_wait3A_81 = tpu.memref_slice %arg4[%add3A_43, %dma_wait3A_80] : memref<16384x128xf32, #tpu.memory_space<hbm>> -> memref<128x128xf32, #tpu.memory_space<hbm>>
    %dma_wait3A_82 = arith.constant 0 : i32
    %dma_wait3A_83 = tpu.memref_slice %arg4[%add3A_43, %dma_wait3A_82] : memref<16384x128xf32, #tpu.memory_space<hbm>> -> memref<128x128xf32, #tpu.memory_space<hbm>>
    tpu.wait_dma2 semaphore(%arg15 : memref<!tpu.dma_semaphore, #tpu.memory_space<semaphore_mem>>) src(%arg7 : memref<128x128xf32, #tpu.memory_space<vmem>>) dst(%dma_wait3A_83 : memref<128x128xf32, #tpu.memory_space<hbm>>)
    %dma_wait3A_84 = arith.constant 0 : i32
    %dma_wait3A_85 = tpu.memref_slice %arg4[%add3A_57, %dma_wait3A_84] : memref<16384x128xf32, #tpu.memory_space<hbm>> -> memref<128x128xf32, #tpu.memory_space<hbm>>
    %dma_wait3A_86 = arith.constant 0 : i32
    %dma_wait3A_87 = tpu.memref_slice %arg4[%add3A_57, %dma_wait3A_86] : memref<16384x128xf32, #tpu.memory_space<hbm>> -> memref<128x128xf32, #tpu.memory_space<hbm>>
    tpu.wait_dma2 semaphore(%arg16 : memref<!tpu.dma_semaphore, #tpu.memory_space<semaphore_mem>>) src(%arg8 : memref<128x128xf32, #tpu.memory_space<vmem>>) dst(%dma_wait3A_87 : memref<128x128xf32, #tpu.memory_space<hbm>>)
    %dma_wait3A_88 = arith.constant 0 : i32
    %dma_wait3A_89 = tpu.memref_slice %arg4[%add3A_71, %dma_wait3A_88] : memref<16384x128xf32, #tpu.memory_space<hbm>> -> memref<128x128xf32, #tpu.memory_space<hbm>>
    %dma_wait3A_90 = arith.constant 0 : i32
    %dma_wait3A_91 = tpu.memref_slice %arg4[%add3A_71, %dma_wait3A_90] : memref<16384x128xf32, #tpu.memory_space<hbm>> -> memref<128x128xf32, #tpu.memory_space<hbm>>
    tpu.wait_dma2 semaphore(%arg17 : memref<!tpu.dma_semaphore, #tpu.memory_space<semaphore_mem>>) src(%arg9 : memref<128x128xf32, #tpu.memory_space<vmem>>) dst(%dma_wait3A_91 : memref<128x128xf32, #tpu.memory_space<hbm>>)
    return
  }
}

</mosaic_0001>

<sc_bundles>
// kernel: kernel.3.cloned.1.call-start
scs
__scs_entry_jumppad:
0x0: {  	(pc) =	sbr.rel $0x88, $3  }
0x1: {  	(tag) =	ssettag $0x0;
	lr =	simm.s32 $0x1  }
0x2: {  	[smem:$0x3F9F] =	sst lr;
	_ =	strace $0xD0000000  }
0x3: {  	_ = 	snop  }
0x4: {  	_ = 	snop  }
0x5: {  	_ = 	snop  }
0x6: {  	_ = 	snop  }
0x7: {  	_ = 	snop  }
__scs_overlays_trampoline_lowered:
0x8: {  	[smem:$0x3FAE] =	sst s0  }
0x9: {  	[smem:$0x3FAF] =	sst s1  }
0xa: {  	[smem:$0x3FB0] =	sst s2  }
0xb: {  	[smem:$0x3FB1] =	sst s3  }
0xc: {  	[smem:$0x3FB2] =	sst s4  }
0xd: {  	[smem:$0x3FB3] =	sst s5  }
0xe: {  	[smem:$0x3FB4] =	sst s6  }
0xf: {  	[smem:$0x3FB5] =	sst s7  }
0x10: {  	[smem:$0x3FB6] =	sst s8  }
0x11: {  	[smem:$0x3FB7] =	sst s9;
	s0 =	simm.s32 @!p0 $0x0  }
0x12: {  	s1 =	sld [smem:$0x3F9D];
	s0 =	simm.s32 @p0 $0x1  }
0x13: {  	[smem:$0x3FB8] =	sst s0;
	s0 =	simm.s32 @!p1 $0x0  }
0x14: {  	s2 =	sld [smem:$0x3F9C];
	s0 =	simm.s32 @p1 $0x1  }
0x15: {  	[smem:$0x3FB9] =	sst s0;
	s0 =	simm.s32 @!p2 $0x0  }
0x16: {  	s3 =	sld [smem:$0x3FDB];
	s0 =	simm.s32 @p2 $0x1  }
0x17: {  	s4 =	simm.s32 $0x1BF5;
	[smem:$0x3FBB] =	sst s0  }
0x18: {  	s0 =	sld [smem:$0x3F9E];
	_ =	swait.ge [sflag:s4], $0x0  }
0x19: {  	s7 =	sld [smem:$0x3F9F]  }
0x1a: {  	s8 =	sadd.s32 $0xFFFFE003, lr  }
0x1b: {  	s9 =	sadd.s32 $0xFFFFFEF7, lr;
	s5 =	simm.s32 $0xFFFFFFFF;
	p2 =	slt.u32 s8, $0xFFFFF086  }
0x1c: {  	p1 =	slt.u32 s9, $0xF7A;
	s5 =	simm.s32 @!p2 $0x0  }
0x1d: {  	s5 =	simm.s32 @p1 $0x1;
	p0 =	seq.s32 s7, s2  }
0x1e: {  	s7 =	smul.u32 @!p0 $0xF7A, s2;
	p2 =	seq.s32 @!p0 s5, $0x0  }
0x1f: {  	s9 =	smul.u32 $0xF7A, s1;
	s8 =	simm.s32 @!p0 $0x1BF5;
	p2 =	por !p2, p0  }
0x20: {  	[sflag:s8] =	ssyncset.s32 @!p0 $0xFFFFF086;
	s6 =	sadd.s32 @!p0 s3, s7;
	s7 =	simm.s32 @!p0 $0x108  }
0x21: {  	s3 =	sadd.s32 s3, s9;
	s6 =	sadd.s32 @!p0 $0x88, s6;
	s7 =	simm.s32 @p2 $0x1082  }
0x22: {  	[simem:s7], [sflag:s8] =	dma.local @!p0 [hbm:s6], $0xF7A  }
0x23: {  	s9 =	sor.u32 $0xD0000000, s2;
	s6 =	simm.s32 $0x108;
	_ =	swait.ge @!p0 [sflag:s8], $0x0  }
0x24: {  	s3 =	sadd.s32 $0x88, s3;
	s6 =	simm.s32 @!p1 $0x1082;
	[sflag:s4] =	ssyncset.s32 $0xFFFFF086  }
0x25: {  	[simem:s6], [sflag:s4] =	dma.local [hbm:s3], $0xF7A  }
0x26: {  	[smem:$0x3F9F] =	sst s1;
	(tag) =	ssettag s2;
	_ =	strace s9  }
0x27: {  	s1 =	sld [smem:$0x3FAF]  }
0x28: {  	s2 =	sld [smem:$0x3FB0]  }
0x29: {  	s4 =	sld [smem:$0x3FB2]  }
0x2a: {  	p0 =	seq.s32 s5, $0x0;
	s5 =	sld [smem:$0x3FB3]  }
0x2b: {  	s6 =	sld [smem:$0x3FB4]  }
0x2c: {  	s7 =	sld [smem:$0x3FB5]  }
0x2d: {  	s3 =	simm.s32 $0x108;
	s8 =	sld [smem:$0x3FB6]  }
0x2e: {  	s3 =	simm.s32 @!p0 $0x1082;
	s9 =	sld [smem:$0x3FB7]  }
0x2f: {  	lr =	sadd.s32 s0, s3;
	s0 =	sld [smem:$0x3FAE]  }
0x30: {  	s3 =	sld [smem:$0x3FB1]  }
0x31: {  	[smem:$0x3FBA] =	sst s10  }
0x32: {  	s10 =	sld [smem:$0x3FB8];
	_ =	sdelay $0x3  }
0x33: {  	p0 =	seq.s32 s10, $0x1;
	s10 =	sld [smem:$0x3FBA];
	_ =	sdelay $0x3  }
0x34: {  	[smem:$0x3FBA] =	sst s10  }
0x35: {  	s10 =	sld [smem:$0x3FB9];
	_ =	sdelay $0x3  }
0x36: {  	p1 =	seq.s32 s10, $0x1;
	s10 =	sld [smem:$0x3FBA];
	_ =	sdelay $0x3  }
0x37: {  	[smem:$0x3FBA] =	sst s10  }
0x38: {  	s10 =	sld [smem:$0x3FBB]  }
0x39: {  	_ = 	snop;
	(pc) =	sbr.ind lr, $3  }
0x3a: {  	_ = 	snop  }
0x3b: {  	_ = 	snop  }
0x3c: {  	p2 =	seq.s32 s10, $0x1;
	s10 =	sld [smem:$0x3FBA]  }
0x3d: {  	_ =	shalt  }
0x3e: {  	_ =	shalt  }
0x3f: {  	_ =	shalt  }
0x40: {  	_ =	shalt  }
0x41: {  	_ =	shalt  }
0x42: {  	_ =	shalt  }
0x43: {  	_ =	shalt  }
0x44: {  	_ =	shalt  }
0x45: {  	_ =	shalt  }
0x46: {  	_ =	shalt  }
0x47: {  	_ =	shalt  }
0x48: {  	_ =	shalt  }
0x49: {  	_ =	shalt  }
0x4a: {  	_ =	shalt  }
0x4b: {  	_ =	shalt  }
0x4c: {  	_ =	shalt  }
0x4d: {  	_ =	shalt  }
0x4e: {  	_ =	shalt  }
0x4f: {  	_ =	shalt  }
0x50: {  	_ =	shalt  }
0x51: {  	_ =	shalt  }
0x52: {  	_ =	shalt  }
0x53: {  	_ =	shalt  }
0x54: {  	_ =	shalt  }
0x55: {  	_ =	shalt  }
0x56: {  	_ =	shalt  }
0x57: {  	_ =	shalt  }
0x58: {  	_ =	shalt  }
0x59: {  	_ =	shalt  }
0x5a: {  	_ =	shalt  }
0x5b: {  	_ =	shalt  }
0x5c: {  	_ =	shalt  }
0x5d: {  	_ =	shalt  }
0x5e: {  	_ =	shalt  }
0x5f: {  	_ =	shalt  }
0x60: {  	_ =	shalt  }
0x61: {  	_ =	shalt  }
0x62: {  	_ =	shalt  }
0x63: {  	_ =	shalt  }
0x64: {  	_ =	shalt  }
0x65: {  	_ =	shalt  }
0x66: {  	_ =	shalt  }
0x67: {  	_ =	shalt  }
0x68: {  	_ =	shalt  }
0x69: {  	_ =	shalt  }
0x6a: {  	_ =	shalt  }
0x6b: {  	_ =	shalt  }
0x6c: {  	_ =	shalt  }
0x6d: {  	_ =	shalt  }
0x6e: {  	_ =	shalt  }
0x6f: {  	_ =	shalt  }
0x70: {  	_ =	shalt  }
0x71: {  	_ =	shalt  }
0x72: {  	_ =	shalt  }
0x73: {  	_ =	shalt  }
0x74: {  	_ =	shalt  }
0x75: {  	_ =	shalt  }
0x76: {  	_ =	shalt  }
0x77: {  	_ =	shalt  }
0x78: {  	_ =	shalt  }
0x79: {  	_ =	shalt  }
0x7a: {  	_ =	shalt  }
0x7b: {  	_ =	shalt  }
0x7c: {  	_ =	shalt  }
0x7d: {  	_ =	shalt  }
0x7e: {  	_ =	shalt  }
0x7f: {  	_ =	shalt  }
0x80: {  	_ =	shalt  }
0x81: {  	_ =	shalt  }
0x82: {  	_ =	shalt  }
0x83: {  	_ =	shalt  }
0x84: {  	_ =	shalt  }
0x85: {  	_ =	shalt  }
0x86: {  	_ =	shalt  }
0x87: {  	_ =	shalt  }
.Lfunc_end0:
.L_simem_size_0:
called_computation_lowered:
.L_overlay_start_0:
0x88: {  	s2 =	sld [smem:$0x3FD9]  }
0x89: {  	s3 =	sld [smem:$0x3FFE];
	_ =	sdelay $0x1  }
0x8a: {  	s1 =	srdreg.scid  }
0x8b: {  	s0 =	sand.u32 $0x1, s1  }
0x8c: {  	s18 =	sshll.u32 s0, $0xA;
	s2 =	sadd.s32 s3, s2  }
0x8d: {  	s2 =	sadd.s32 s2, s18  }
0x8e: {  	[smem:$0x3FC6] =	sst s2  }
0x8f: {  	_ = 	snop  }
0x90: {  	s2 =	sld [smem:$0x3FC9]  }
0x91: {  	s19 =	sld [smem:$0x3FC8]  }
0x92: {  	s4 =	sld [smem:$0x3FD0];
	(tm) =	ssettm $0x1  }
0x93: {  	s5 =	sld [smem:$0x3FFB];
	_ =	sdelay $0x3  }
0x94: {  	_ =	strace s5  }
0x95: {  	s5 =	sld [smem:$0x3FFC];
	_ =	sdelay $0x3  }
0x96: {  	_ =	strace s5  }
0x97: {  	s5 =	sld [smem:$0x3FFD];
	_ =	sdelay $0x3  }
0x98: {  	_ =	strace s5  }
0x99: {  	_ =	strace $0x8FFFFFFF  }
0x9a: {  	s20 =	sld [smem:$0x3FDB];
	_ =	sdelay $0x1  }
0x9b: {  	s6 =	simm.s32 $_scs_section_size  }
0x9c: {  	s7 =	simm.s32 $_size__tile_overlayer_lowered;
	s8 =	simm.s32 $_tile_overlayer_lowered  }
0x9d: {  	s23 =	simm.s32 $0x1BFF;
	s22 =	sshll.u32 s8, $0x1;
	s5 =	sadd.s32 s6, s20  }
0x9e: {  	s9 =	simm.s32 $0x0;
	s21 =	sshll.u32 s7, $0x1;
	s7 =	sadd.s32 s22, s5  }
0x9f: {  	[timem:s9], [sflag:s23] =	dma.local [hbm:s7], s21  }
0xa0: {  	_ =	swait.ge [sflag:s23], s21  }
0xa1: {  	s6 =	ssub.s32 $0x0, s21;
	[sflag:s23] =	ssyncset.done $0x0  }
0xa2: {  	[sflag:s23] =	ssyncadd.s32 s6;
	_ =	sdelay $0x1  }
0xa3: {  	s24 =	simm.s32 $0x1B8B  }
0xa4: {  	_ =	swait.ge [sflag:s24], $0x1  }
0xa5: {  	[sflag:s24] =	ssyncset.done $0x0  }
0xa6: {  	s25 =	simm.s32 $0x1B8E;
	[sflag:s24] =	ssyncadd.s32 $0xFFFFFFFF  }
0xa7: {  	s26 =	simm.s32 $execute0_lowered;
	[smem:$0x3FD2] =	sst s25  }
0xa8: {  	s6 =	sshll.u32 s26, $0x1;
	_ =	strace $0x80000046;
	[dreg:$0x1] =	wrdreg $0xFFFFFFFF  }
0xa9: {  	s28 =	simm.s32 $_size_execute0_lowered;
	s5 =	sadd.s32 s5, s6;
	[dreg:$0x0] =	wrdreg $0x0  }
0xaa: {  	s6 =	sshll.u32 s28, $0x1;
	[dreg:$0x2] =	wrdreg s5  }
0xab: {  	[dreg:$0x3] =	wrdreg s6  }
0xac: {  	[dreg:$0x4] =	wrdreg $0xC0  }
0xad: {  	_ =	task [dreg:s9], $0x5FFFF  }
0xae: {  	[dreg:$0x1] =	wrdreg $0xFFFFFFFF  }
0xaf: {  	[dreg:$0x0] =	wrdreg $0x60  }
0xb0: {  	[dreg:$0x2] =	wrdreg s2  }
0xb1: {  	[dreg:$0x3] =	wrdreg s19  }
0xb2: {  	[dreg:$0x4] =	wrdreg s4  }
0xb3: {  	[dreg:$0x5] =	wrdreg $0x9  }
0xb4: {  	_ =	task.clear_ibuf [dreg:s9], $0x6FFFF;
	_ =	strace $0x90000046  }
0xb5: {  	s29 =	simm.s32 $0x9;
	_ =	strace $0x80000048  }
0xb6: {  	_ =	swait.ge [sflag:s29], $0x1  }
0xb7: {  	[sflag:s29] =	ssyncadd.s32 $0xFFFFFFFF  }
0xb8: {  	_ =	strace $0x90000048  }
0xb9: {  	_ =	sfence  }
0xba: {  	s30 =	sld [smem:$0x0];
	_ =	sdelay $0x2  }
0xbb: {  	s31 =	sshll.u32 s1, $0xD;
	s1 =	sshrl.u32 s1, $0x2  }
0xbc: {  	s3 =	sand.u32 $0x4000, s31;
	s1 =	sadd.s32 s1, s30  }
0xbd: {  	s0 =	sor.u32 s3, s0;
	s1 =	sshll.u32 s1, $0x11  }
0xbe: {  	s0 =	sor.u32 s1, s0  }
0xbf: {  	s0 =	sadd.s32 $0x8F2B, s0  }
0xc0: {  	[sflag:s0] =	ssyncadd.remote.s32 $0x1  }
0xc1: {  	_ =	sfence.sel $0xFFFF  }
0xc2: {  	[dreg:$0x0] =	wrdreg $0xFFFFFFFF;
	(pc) =	sbr.abs _section_cstart, $3  }
0xc3: {  	[dreg:$0x1] =	wrdreg $0xFFFFFFFF  }
0xc4: {  	_ =	task.clear_ibuf [dreg:s9], $0x2FFFF;
	_ =	strace $0x9FFFFFFF  }
0xc5: {  	(tm) =	ssettm $0x7FFFFFFF  }
tec
execute0_lowered:
.L_overlay_start_1:
0x0: {  	(tag) =	ssettag $0x1  }
0x1: {  	s4 =	rddreg [dreg:$0x0]  }
0x2: {  	s1 =	rddreg [dreg:$0x1]  }
0x3: {  	s5 =	rddreg [dreg:$0x2]  }
0x4: {  	v0 =	vimm.s32 $0xFEDCBA98;
	s0 =	rddreg [dreg:$0x3];
	s3 =	simm.s32 $0x0;
	v1 =	vimm.s32 $0x76543210  }
0x5: {  	s6 =	srdreg.scid;
	s2 =	stileid.u32;
	v2 =	vimm.s32 $0xBA98FEDC;
	v3 =	vimm.s32 $0x32107654;
	v4 =	vimm.s32 $0xDCFE98BA;
	s11 =	simm.s32 $0x80  }
0x6: {  	v5 =	vimm.s32 $0x54761032;
	v6 =	vimm.s32 $0xEFCDAB89;
	s12 =	simm.s32 $0x200;
	s13 =	simm.s32 $0x4200;
	s14 =	simm.s32 $0x100  }
0x7: {  	v7 =	vimm.s32 $0x67452301;
	s15 =	simm.s32 $0x8200;
	s16 =	simm.s32 $0x180;
	s17 =	simm.s32 $0xC200  }
0x8: {  	s18 =	simm.s32 $0x1;
	s19 =	simm.s32 $0x2;
	s20 =	simm.s32 $0x3;
	v0 =	vunpack.c.l.s4.s8 v0;
	v1 =	vunpack.c.l.s4.s8 v1;
	v2 =	vunpack.c.l.s4.s8 v2  }
0x9: {  	s21 =	simm.s32 $0x4;
	s22 =	simm.s32 $0x5;
	s23 =	simm.s32 $0x6;
	v3 =	vunpack.c.l.s4.s8 v3;
	v4 =	vunpack.c.l.s4.s8 v4;
	v5 =	vunpack.c.l.s4.s8 v5  }
0xa: {  	s24 =	simm.s32 $0x7;
	s25 =	simm.s32 $0x8;
	s6 =	sand.u32 $0x1, s6;
	v6 =	vunpack.c.l.s4.s8 v6;
	v7 =	vunpack.c.l.s4.s8 v7;
	v0 =	vunpack.c.0.s8.s32 v0  }
0xb: {  	s26 =	simm.s32 $0x0;
	s7 =	sshll.u32 s2, $0xA;
	s8 =	sshll.u32 s6, $0x9;
	v2 =	vunpack.c.0.s8.s32 v2;
	v3 =	vunpack.c.0.s8.s32 v3;
	v4 =	vunpack.c.0.s8.s32 v4  }
0xc: {  	[smem:$0x7FF] =	sst s3;
	s6 =	ssub.s32 $0x2, s6;
	s7 =	sor.u32 s8, s7;
	v5 =	vunpack.c.0.s8.s32 v5;
	v6 =	vunpack.c.0.s8.s32 v6;
	v7 =	vunpack.c.0.s8.s32 v7  }
0xd: {  	_ =	strace $0x80000047;
	s31 =	sshrl.u32 s6, $0x1;
	v1 =	vunpack.c.0.s8.s32 v1;
	s9 =	sshrl.u32 s7, $0x3;
	v2 =	vcombine.low v3, v2  }
0xe: {  	s7 =	sshll.u32 s7, $0x4;
	s10 =	ssub.s32 s6, s31;
	s4 =	sadd.s32 s4, s9;
	v3 =	vcombine.low v5, v4;
	v4 =	vcombine.low v7, v6;
	v0 =	vand.u32 $0xF, v0  }
0xf: {  	s5 =	sadd.s32 s5, s7;
	s9 =	smax.u32 s10, $0x1;
	s10 =	simm.s32 $0x9;
	v0 =	vcombine.low v0, v1  }
0x10: {  	s6 =	sadd.s32 $0x800, s5;
	s7 =	sadd.s32 $0x1000, s5;
	s8 =	sadd.s32 $0x1800, s5;
	v1 =	vand.u32 $0xF, v2;
	v2 =	vand.u32 $0xF, v3;
	v3 =	vand.u32 $0xF, v4  }
.LBB2_1:
0x11: {  	[tilespmem:s3], [sflag:$0x9] =	stream.linear.gather [hbm4b:s4+s3], $0x200, $0x38;
	[tilespmem:$0x10200] =	vst v63  }
0x12: {  	_ =	swait.ge [sflag:s10], $0x200  }
0x13: {  	[sflag:s10] =	ssyncset.done $0x0  }
0x14: {  	[sflag:s10] =	ssyncadd.s32 $0xFFFFFE00  }
0x15: {  	[tilespmem:s12], [sflag:$0x1] =	stream.indirect.gather [hbm4b:s1+s11], $0x80, s3, s11, $0xb8;
	[tilespmem:$0x10200] =	vst v63  }
0x16: {  	_ = 	snop  }
0x17: {  	[tilespmem:s13], [sflag:$0x2] =	stream.indirect.gather [hbm4b:s1+s11], $0x80, s11, s11, $0xb8;
	[tilespmem:$0x10200] =	vst v63  }
0x18: {  	_ = 	snop  }
0x19: {  	[tilespmem:s15], [sflag:$0x3] =	stream.indirect.gather [hbm4b:s1+s11], $0x80, s14, s11, $0xb8;
	[tilespmem:$0x10200] =	vst v63  }
0x1a: {  	_ = 	snop  }
0x1b: {  	[tilespmem:s17], [sflag:$0x4] =	stream.indirect.gather [hbm4b:s1+s11], $0x80, s16, s11, $0xb8;
	[tilespmem:$0x10200] =	vst v63  }
0x1c: {  	_ =	swait.ge [sflag:s18], $0x4000  }
0x1d: {  	[sflag:s18] =	ssyncset.done $0x0  }
0x1e: {  	s28 =	simm.s32 $0x300;
	[sflag:s18] =	ssyncadd.s32 $0xFFFFC000  }
0x1f: {  	v31 =	vld [tilespmem:s28+$0x80]  }
0x20: {  	v32 =	vld [tilespmem:s28+$0x90]  }
0x21: {  	v9 =	vld [tilespmem:s28+$0xFFFFFF10]  }
0x22: {  	v33 =	vld [tilespmem:s28+$0xA0]  }
0x23: {  	v10 =	vld [tilespmem:s28+$0xFFFFFF80]  }
0x24: {  	v28 =	vld [tilespmem:s28+$0xB0]  }
0x25: {  	v12 =	vld [tilespmem:s28+$0xFFFFFF90];
	v5 =	vmul.f32 v31, v31;
	v6 =	vmul.f32 v32, v32  }
0x26: {  	v29 =	vld [tilespmem:s28+$0xC0]  }
0x27: {  	v4 =	vld [tilespmem:s28+$0x0];
	v7 =	vmul.f32 v33, v33;
	v6 =	vadd.f32 v6, v5  }
0x28: {  	v30 =	vld [tilespmem:s28+$0xD0]  }
0x29: {  	v34 =	vld [tilespmem:s28+$0xE0];
	v6 =	vadd.f32 v7, v6;
	v7 =	vmul.f32 v28, v28  }
0x2a: {  	v35 =	vld [tilespmem:s28+$0xF0]  }
0x2b: {  	v15 =	vld [tilespmem:s28+$0xFFFFFF00];
	v6 =	vadd.f32 v7, v6;
	v7 =	vmul.f32 v29, v29  }
0x2c: {  	v14 =	vld [tilespmem:s28+$0xFFFFFF20]  }
0x2d: {  	v16 =	vld [tilespmem:s28+$0xFFFFFFA0];
	v8 =	vmul.f32 v30, v30;
	v7 =	vadd.f32 v7, v6  }
0x2e: {  	v19 =	vld [tilespmem:s28+$0xFFFFFF30]  }
0x2f: {  	v17 =	vld [tilespmem:s28+$0xFFFFFFB0];
	v11 =	vmul.f32 v35, v35;
	v7 =	vadd.f32 v8, v7;
	v8 =	vmul.f32 v34, v34  }
0x30: {  	v22 =	vld [tilespmem:s28+$0xFFFFFF40];
	v13 =	vmul.f32 v9, v9;
	v23 =	vmul.f32 v15, v15  }
0x31: {  	v20 =	vld [tilespmem:s28+$0xFFFFFFC0];
	v18 =	vmul.f32 v10, v10;
	v21 =	vmul.f32 v12, v12;
	v8 =	vadd.f32 v8, v7  }
0x32: {  	v26 =	vmul.f32 v14, v14;
	v5 =	vld [tilespmem:s28+$0x10];
	v13 =	vadd.f32 v13, v23  }
0x33: {  	v27 =	vmul.f32 v16, v16;
	v18 =	vadd.f32 v21, v18;
	v23 =	vld [tilespmem:s28+$0xFFFFFF50];
	v11 =	vadd.f32 v11, v8  }
0x34: {  	v13 =	vadd.f32 v26, v13;
	v6 =	vld [tilespmem:s28+$0x20]  }
0x35: {  	v18 =	vadd.f32 v27, v18;
	v27 =	vmul.f32 v17, v17;
	v26 =	vld [tilespmem:s28+$0xFFFFFF60];
	v25 =	vperm.xlane v11, v0  }
0x36: {  	v24 =	vmul.f32 v4, v4;
	v7 =	vld [tilespmem:s28+$0x30]  }
0x37: {  	v18 =	vadd.f32 v27, v18;
	v27 =	vld [tilespmem:s28+$0xFFFFFF70];
	v21 =	vmul.f32 v5, v5;
	v25 =	vadd.f32 v11, v25  }
0x38: {  	v37 =	vmul.f32 v19, v19;
	v40 =	vmul.f32 v22, v22;
	v8 =	vld [tilespmem:s28+$0x40]  }
0x39: {  	v24 =	vadd.f32 v21, v24;
	v21 =	vld [tilespmem:s28+$0xFFFFFFD0];
	v36 =	vmul.f32 v6, v6;
	v38 =	vperm.xlane v25, v1  }
0x3a: {  	v41 =	vmul.f32 v20, v20;
	v37 =	vadd.f32 v37, v13;
	v45 =	vmul.f32 v23, v23;
	v11 =	vld [tilespmem:s28+$0x50]  }
0x3b: {  	v36 =	vadd.f32 v36, v24;
	v24 =	vld [tilespmem:s28+$0xFFFFFFE0];
	v39 =	vmul.f32 v7, v7;
	v38 =	vadd.f32 v25, v38  }
0x3c: {  	v13 =	vld [tilespmem:s28+$0x60];
	v37 =	vadd.f32 v40, v37;
	v41 =	vadd.f32 v41, v18;
	v47 =	vmul.f32 v26, v26  }
0x3d: {  	v36 =	vadd.f32 v39, v36;
	v63 =	vmul.f32 v8, v8;
	v25 =	vld [tilespmem:s28+$0xFFFFFFF0];
	v42 =	vperm.xlane v38, v2  }
0x3e: {  	v18 =	vld [tilespmem:s28+$0x70];
	v37 =	vadd.f32 v45, v37;
	v51 =	vmul.f32 v27, v27;
	v43 =	vmul.f32 v21, v21  }
0x3f: {  	v36 =	vadd.f32 v63, v36;
	v46 =	vmul.f32 v11, v11;
	v38 =	vadd.f32 v38, v42  }
0x40: {  	v37 =	vadd.f32 v47, v37;
	v41 =	vadd.f32 v43, v41;
	v48 =	vmul.f32 v24, v24  }
0x41: {  	v49 =	vmul.f32 v13, v13;
	v36 =	vadd.f32 v46, v36;
	v50 =	vperm.xlane v38, v3  }
0x42: {  	v37 =	vadd.f32 v51, v37;
	v41 =	vadd.f32 v48, v41;
	v52 =	vmul.f32 v25, v25  }
0x43: {  	v53 =	vmul.f32 v18, v18;
	v36 =	vadd.f32 v49, v36;
	v38 =	vadd.f32 v38, v50  }
0x44: {  	v56 =	vperm.xlane v37, v0;
	v54 =	vadd.f32 v52, v41  }
0x45: {  	v36 =	vadd.f32 v53, v36;
	v55 =	vshrl.u32 v38, $0x1;
	v38 =	vmul.f32 $5.000000000e-01, v38  }
0x46: {  	v42 =	vperm.xlane v54, v0;
	v39 =	vsub.s32 $0x5F3759DF, v55  }
0x47: {  	v37 =	vadd.f32 v37, v56;
	v57 =	vperm.xlane v36, v0;
	v38 =	vmul.f32 v39, v38  }
0x48: {  	v40 =	vadd.f32 v54, v42  }
0x49: {  	v41 =	vperm.xlane v37, v1;
	v36 =	vadd.f32 v36, v57;
	v38 =	vmul.f32 v39, v38  }
0x4a: {  	v42 =	vperm.xlane v40, v1  }
0x4b: {  	v37 =	vadd.f32 v37, v41;
	v43 =	vperm.xlane v36, v1;
	v38 =	vsub.f32 $1.500000000e+00, v38  }
0x4c: {  	v40 =	vadd.f32 v40, v42  }
0x4d: {  	v58 =	vperm.xlane v37, v2;
	v36 =	vadd.f32 v36, v43;
	v38 =	vmul.f32 v39, v38  }
0x4e: {  	v59 =	vperm.xlane v40, v2  }
0x4f: {  	v37 =	vadd.f32 v37, v58;
	v60 =	vperm.xlane v36, v2;
	v35 =	vmul.f32 v38, v35  }
0x50: {  	v61 =	vadd.f32 v40, v59;
	v31 =	vmul.f32 v38, v31  }
0x51: {  	v63 =	vperm.xlane v37, v3;
	v62 =	vadd.f32 v36, v60;
	v32 =	vmul.f32 v38, v32;
	[tilespmem:s28+$0xF0] =	vst v35  }
0x52: {  	v33 =	vmul.f32 v38, v33;
	v41 =	vperm.xlane v61, v3;
	[tilespmem:s28+$0x80] =	vst v31  }
0x53: {  	v28 =	vmul.f32 v38, v28;
	v31 =	vperm.xlane v62, v3;
	[tilespmem:s28+$0x90] =	vst v32  }
0x54: {  	v36 =	vadd.f32 v37, v63;
	v29 =	vmul.f32 v38, v29;
	[tilespmem:s28+$0xA0] =	vst v33;
	v35 =	vadd.f32 v61, v41  }
0x55: {  	s29 =	simm.s32 $0x0;
	s30 =	simm.s32 $0x500;
	[tilespmem:s28+$0xB0] =	vst v28;
	v32 =	vmul.f32 v38, v30;
	v30 =	vmul.f32 v38, v34;
	v31 =	vadd.f32 v62, v31  }
.LBB2_2:
0x56: {  	v28 =	vld [tilespmem:s30+$0x80];
	v33 =	vshrl.u32 v36, $0x1;
	v34 =	vmul.f32 $5.000000000e-01, v36;
	v36 =	vshrl.u32 v35, $0x1;
	[tilespmem:s28+$0xC0] =	vst v29  }
0x57: {  	s29 =	sadd.s32 $0x4, s29;
	v35 =	vmul.f32 $5.000000000e-01, v35;
	v29 =	vld [tilespmem:s30+$0x90];
	v37 =	vshrl.u32 v31, $0x1;
	v38 =	vmul.f32 $5.000000000e-01, v31;
	[tilespmem:s28+$0xD0] =	vst v32  }
0x58: {  	p0 =	slt.u32 s29, $0x7C;
	v39 =	vsub.s32 $0x5F3759DF, v33;
	v36 =	vsub.s32 $0x5F3759DF, v36;
	v40 =	vld [tilespmem:s30+$0xFFFFFF10];
	v41 =	vsub.s32 $0x5F3759DF, v37;
	[tilespmem:s28+$0xE0] =	vst v30  }
0x59: {  	v32 =	vmul.f32 v39, v34;
	v33 =	vmul.f32 v36, v35;
	v31 =	vld [tilespmem:s30+$0xA0]  }
0x5a: {  	v34 =	vmul.f32 v41, v38;
	v42 =	vld [tilespmem:s30+$0xFFFFFF80]  }
0x5b: {  	v35 =	vmul.f32 v39, v32;
	v33 =	vmul.f32 v36, v33;
	v30 =	vld [tilespmem:s30+$0xB0]  }
0x5c: {  	v38 =	vmul.f32 v28, v28;
	v43 =	vld [tilespmem:s30+$0xFFFFFF90];
	v44 =	vmul.f32 v29, v29  }
0x5d: {  	v34 =	vmul.f32 v41, v34;
	v35 =	vsub.f32 $1.500000000e+00, v35;
	v45 =	vmul.f32 v40, v40;
	v32 =	vld [tilespmem:s30+$0xC0]  }
0x5e: {  	v47 =	vsub.f32 $1.500000000e+00, v33;
	v37 =	vld [tilespmem:s30+$0x0];
	v44 =	vadd.f32 v44, v38;
	v46 =	vmul.f32 v31, v31  }
0x5f: {  	v49 =	vmul.f32 v39, v35;
	v35 =	vsub.f32 $1.500000000e+00, v34;
	v48 =	vmul.f32 v42, v42;
	v33 =	vld [tilespmem:s30+$0xD0]  }
0x60: {  	v39 =	vmul.f32 v36, v47;
	v38 =	vld [tilespmem:s30+$0x10];
	v44 =	vadd.f32 v46, v44;
	v46 =	vmul.f32 v30, v30  }
0x61: {  	v35 =	vmul.f32 v41, v35;
	v36 =	vmul.f32 v43, v43;
	v34 =	vld [tilespmem:s30+$0xE0]  }
0x62: {  	v41 =	vadd.f32 v46, v44;
	v44 =	vmul.f32 v32, v32;
	v46 =	vmul.f32 v49, v15;
	v15 =	vld [tilespmem:s30+$0xFFFFFF00]  }
0x63: {  	v50 =	vmul.f32 v49, v9;
	v9 =	vmovc v40;
	v47 =	vadd.f32 v36, v48;
	v48 =	vmul.f32 v37, v37;
	v36 =	vld [tilespmem:s30+$0xF0]  }
0x64: {  	v41 =	vadd.f32 v44, v41;
	v44 =	vmul.f32 v33, v33;
	[tilespmem:s28+$0xFFFFFF00] =	vst v46;
	v46 =	vmul.f32 v49, v14;
	v14 =	vld [tilespmem:s30+$0xFFFFFF20]  }
0x65: {  	v51 =	vld [tilespmem:s30+$0xFFFFFFA0];
	v52 =	vmul.f32 v38, v38;
	[tilespmem:s28+$0xFFFFFF10] =	vst v50;
	v50 =	vmul.f32 v49, v19  }
0x66: {  	v22 =	vmul.f32 v49, v22;
	v40 =	vld [tilespmem:s30+$0x20];
	v41 =	vadd.f32 v44, v41;
	v44 =	vmul.f32 v34, v34;
	[tilespmem:s28+$0xFFFFFF20] =	vst v46  }
0x67: {  	v23 =	vmul.f32 v49, v23;
	v46 =	vmul.f32 v15, v15;
	v19 =	vld [tilespmem:s30+$0xFFFFFF30];
	v48 =	vadd.f32 v52, v48;
	[tilespmem:s28+$0xFFFFFF30] =	vst v50  }
0x68: {  	v26 =	vmul.f32 v49, v26;
	v50 =	vld [tilespmem:s30+$0xFFFFFFB0];
	v41 =	vadd.f32 v44, v41;
	v44 =	vmul.f32 v36, v36;
	[tilespmem:s28+$0xFFFFFF40] =	vst v22  }
0x69: {  	v45 =	vadd.f32 v45, v46;
	v46 =	vmul.f32 v14, v14;
	v52 =	vld [tilespmem:s30+$0x30];
	[tilespmem:s28+$0xFFFFFF50] =	vst v23;
	v23 =	vmul.f32 v49, v27  }
0x6a: {  	v10 =	vmul.f32 v39, v10;
	v22 =	vld [tilespmem:s30+$0xFFFFFF40];
	v27 =	vmul.f32 v51, v51;
	v41 =	vadd.f32 v44, v41;
	[tilespmem:s28+$0xFFFFFF60] =	vst v26  }
0x6b: {  	v12 =	vmul.f32 v39, v12;
	v26 =	vadd.f32 v46, v45;
	v44 =	vld [tilespmem:s30+$0xFFFFFFC0];
	v45 =	vmul.f32 v40, v40;
	[tilespmem:s28+$0xFFFFFF70] =	vst v23  }
0x6c: {  	v46 =	vmul.f32 v19, v19;
	v27 =	vadd.f32 v27, v47;
	v47 =	vld [tilespmem:s30+$0x40];
	v49 =	vperm.xlane v41, v0;
	[tilespmem:s28+$0xFFFFFF80] =	vst v10  }
0x6d: {  	v54 =	vmul.f32 v39, v16;
	v23 =	vld [tilespmem:s30+$0xFFFFFF50];
	v53 =	vmul.f32 v50, v50;
	v45 =	vadd.f32 v45, v48;
	[tilespmem:s28+$0xFFFFFF90] =	vst v12  }
0x6e: {  	v10 =	vmovc v42;
	v16 =	vadd.f32 v46, v26;
	v46 =	vld [tilespmem:s30+$0xFFFFFFD0];
	v48 =	vmul.f32 v52, v52;
	v41 =	vadd.f32 v41, v49  }
0x6f: {  	v17 =	vmul.f32 v39, v17;
	v42 =	vmul.f32 v22, v22;
	v27 =	vadd.f32 v53, v27;
	v49 =	vld [tilespmem:s30+$0x50];
	[tilespmem:s28+$0xFFFFFFA0] =	vst v54  }
0x70: {  	v12 =	vmovc v43;
	v26 =	vld [tilespmem:s30+$0xFFFFFF60];
	v53 =	vmul.f32 v44, v44;
	v45 =	vadd.f32 v48, v45;
	v48 =	vperm.xlane v41, v1  }
0x71: {  	v56 =	vmul.f32 v39, v20;
	v42 =	vadd.f32 v42, v16;
	v43 =	vld [tilespmem:s30+$0xFFFFFFE0];
	v54 =	vmul.f32 v47, v47;
	[tilespmem:s28+$0xFFFFFFB0] =	vst v17  }
0x72: {  	v20 =	vmul.f32 v23, v23;
	v53 =	vadd.f32 v53, v27;
	v55 =	vld [tilespmem:s30+$0x60];
	v41 =	vadd.f32 v41, v48;
	v16 =	vmovc v51  }
0x73: {  	v21 =	vmul.f32 v39, v21;
	v27 =	vld [tilespmem:s30+$0xFFFFFF70];
	v48 =	vmul.f32 v46, v46;
	v45 =	vadd.f32 v54, v45;
	[tilespmem:s28+$0xFFFFFFC0] =	vst v56  }
0x74: {  	v17 =	vmovc v50;
	v42 =	vadd.f32 v20, v42;
	v51 =	vld [tilespmem:s30+$0xFFFFFFF0];
	v56 =	vmul.f32 v49, v49;
	v54 =	vperm.xlane v41, v2  }
0x75: {  	v57 =	vmul.f32 v39, v24;
	v50 =	vmul.f32 v26, v26;
	v48 =	vadd.f32 v48, v53;
	v53 =	vld [tilespmem:s30+$0x70];
	[tilespmem:s28+$0xFFFFFFD0] =	vst v21  }
0x76: {  	v24 =	vmul.f32 v43, v43;
	v45 =	vadd.f32 v56, v45;
	v41 =	vadd.f32 v41, v54;
	v20 =	vmovc v44  }
0x77: {  	v25 =	vmul.f32 v39, v25;
	v42 =	vadd.f32 v50, v42;
	v44 =	vmul.f32 v55, v55;
	[tilespmem:s28+$0xFFFFFFE0] =	vst v57  }
0x78: {  	v21 =	vmovc v46;
	v39 =	vmul.f32 v27, v27;
	v24 =	vadd.f32 v24, v48;
	v48 =	vperm.xlane v41, v3  }
0x79: {  	v46 =	vmul.f32 v51, v51;
	v44 =	vadd.f32 v44, v45;
	[tilespmem:s28+$0xFFFFFFF0] =	vst v25;
	v25 =	vmul.f32 v35, v4  }
0x7a: {  	v4 =	vmovc v37;
	v39 =	vadd.f32 v39, v42;
	v42 =	vmul.f32 v53, v53;
	v41 =	vadd.f32 v41, v48  }
0x7b: {  	v45 =	vmul.f32 v35, v5;
	v37 =	vadd.f32 v46, v24;
	[tilespmem:s28+$0x0] =	vst v25;
	v46 =	vmul.f32 v35, v6  }
0x7c: {  	v5 =	vmovc v38;
	v6 =	vmovc v40;
	v42 =	vadd.f32 v42, v44;
	v44 =	vshrl.u32 v41, $0x1;
	v41 =	vmul.f32 $5.000000000e-01, v41  }
0x7d: {  	v38 =	vperm.xlane v39, v0;
	v24 =	vmovc v43;
	v40 =	vperm.xlane v37, v0;
	v44 =	vsub.s32 $0x5F3759DF, v44;
	[tilespmem:s28+$0x10] =	vst v45  }
0x7e: {  	v25 =	vmov v51;
	v43 =	vperm.xlane v42, v0;
	v41 =	vmul.f32 v44, v41;
	[tilespmem:s28+$0x20] =	vst v46  }
0x7f: {  	v38 =	vadd.f32 v39, v38;
	v39 =	vmul.f32 v35, v7;
	v7 =	vmovc v52;
	v37 =	vadd.f32 v37, v40  }
0x80: {  	v40 =	vadd.f32 v42, v43;
	v41 =	vmul.f32 v44, v41;
	v42 =	vmul.f32 v35, v8;
	v8 =	vmovc v47  }
0x81: {  	v43 =	vperm.xlane v38, v1;
	v45 =	vperm.xlane v37, v1;
	[tilespmem:s28+$0x30] =	vst v39  }
0x82: {  	v39 =	vperm.xlane v40, v1;
	v41 =	vsub.f32 $1.500000000e+00, v41;
	[tilespmem:s28+$0x40] =	vst v42;
	v42 =	vmul.f32 v35, v11;
	v11 =	vmovc v49  }
0x83: {  	v38 =	vadd.f32 v38, v43;
	v43 =	vmul.f32 v35, v13;
	v13 =	vmovc v55;
	v37 =	vadd.f32 v37, v45  }
0x84: {  	v35 =	vmul.f32 v35, v18;
	v39 =	vadd.f32 v40, v39;
	v40 =	vmul.f32 v44, v41;
	[tilespmem:s28+$0x50] =	vst v42  }
0x85: {  	v18 =	vmov v53;
	v41 =	vperm.xlane v38, v2;
	v42 =	vperm.xlane v37, v2;
	[tilespmem:s28+$0x60] =	vst v43  }
0x86: {  	v43 =	vperm.xlane v39, v2;
	v36 =	vmul.f32 v40, v36;
	[tilespmem:s28+$0x70] =	vst v35;
	s28 =	smov.u32 s30  }
0x87: {  	v35 =	vadd.f32 v38, v41;
	v28 =	vmul.f32 v40, v28;
	v37 =	vadd.f32 v37, v42  }
.Ltmp0:
0x88: {  	v29 =	vmul.f32 v40, v29;
	v31 =	vmul.f32 v40, v31;
	v38 =	vadd.f32 v39, v43;
	[tilespmem:s30+$0xF0] =	vst v36;
	(pc) =	sbr.rel @p0 .LBB2_2-.Ltmp0, $4  }
0x89: {  	v36 =	vperm.xlane v35, v3;
	v39 =	vperm.xlane v37, v3;
	[tilespmem:s30+$0x80] =	vst v28  }
0x8a: {  	v30 =	vmul.f32 v40, v30;
	v28 =	vperm.xlane v38, v3;
	[tilespmem:s30+$0x90] =	vst v29  }
0x8b: {  	v36 =	vadd.f32 v35, v36;
	v29 =	vmul.f32 v40, v32;
	v35 =	vadd.f32 v37, v39;
	[tilespmem:s30+$0xA0] =	vst v31  }
0x8c: {  	v32 =	vmul.f32 v40, v33;
	s30 =	sadd.s32 $0x200, s30;
	v31 =	vadd.f32 v38, v28;
	[tilespmem:s28+$0xB0] =	vst v30;
	v30 =	vmul.f32 v40, v34  }
0x8d: {  	v28 =	vshrl.u32 v36, $0x1;
	v33 =	vmul.f32 $5.000000000e-01, v36  }
0x8e: {  	v28 =	vsub.s32 $0x5F3759DF, v28  }
0x8f: {  	v33 =	vmul.f32 v28, v33;
	_ =	sdelay $0x1  }
0x90: {  	v33 =	vmul.f32 v28, v33;
	_ =	sdelay $0x1  }
0x91: {  	v33 =	vsub.f32 $1.500000000e+00, v33;
	_ =	sdelay $0x1  }
0x92: {  	v34 =	vshrl.u32 v35, $0x1;
	v59 =	vmul.f32 $5.000000000e-01, v35;
	v28 =	vmul.f32 v28, v33  }
0x93: {  	[tilespmem:s28+$0xC0] =	vst v29;
	v29 =	vsub.s32 $0x5F3759DF, v34  }
0x94: {  	[tilespmem:s28+$0xD0] =	vst v32;
	v60 =	vmul.f32 v29, v59;
	v15 =	vmul.f32 v28, v15  }
0x95: {  	[tilespmem:s28+$0xE0] =	vst v30;
	v9 =	vmul.f32 v28, v9  }
0x96: {  	v30 =	vmul.f32 v29, v60;
	v14 =	vmul.f32 v28, v14;
	[tilespmem:s28+$0xFFFFFF00] =	vst v15  }
0x97: {  	[tilespmem:s28+$0xFFFFFF10] =	vst v9;
	v9 =	vmul.f32 v28, v19  }
0x98: {  	v15 =	vsub.f32 $1.500000000e+00, v30;
	[tilespmem:s28+$0xFFFFFF20] =	vst v14;
	v14 =	vmul.f32 v28, v22  }
0x99: {  	v19 =	vmul.f32 $5.000000000e-01, v31;
	[tilespmem:s28+$0xFFFFFF30] =	vst v9;
	v9 =	vmul.f32 v28, v23  }
0x9a: {  	v22 =	vshrl.u32 v31, $0x1;
	v15 =	vmul.f32 v29, v15;
	[tilespmem:s28+$0xFFFFFF40] =	vst v14;
	v14 =	vmul.f32 v28, v26  }
0x9b: {  	v22 =	vsub.s32 $0x5F3759DF, v22;
	[tilespmem:s28+$0xFFFFFF50] =	vst v9;
	v9 =	vmul.f32 v28, v27  }
0x9c: {  	v19 =	vmul.f32 v22, v19;
	[tilespmem:s28+$0xFFFFFF60] =	vst v14;
	v10 =	vmul.f32 v15, v10  }
0x9d: {  	[tilespmem:s28+$0xFFFFFF70] =	vst v9;
	v9 =	vmul.f32 v15, v12  }
0x9e: {  	v12 =	vmul.f32 v22, v19;
	[tilespmem:s28+$0xFFFFFF80] =	vst v10;
	v10 =	vmul.f32 v15, v16  }
0x9f: {  	[tilespmem:s28+$0xFFFFFF90] =	vst v9;
	v9 =	vmul.f32 v15, v17  }
0xa0: {  	v12 =	vsub.f32 $1.500000000e+00, v12;
	[tilespmem:s28+$0xFFFFFFA0] =	vst v10;
	v10 =	vmul.f32 v15, v20  }
0xa1: {  	[tilespmem:s28+$0xFFFFFFB0] =	vst v9;
	v9 =	vmul.f32 v15, v21  }
0xa2: {  	v12 =	vmul.f32 v22, v12;
	[tilespmem:s28+$0xFFFFFFC0] =	vst v10;
	v10 =	vmul.f32 v15, v24  }
0xa3: {  	[tilespmem:s28+$0xFFFFFFD0] =	vst v9;
	v9 =	vmul.f32 v15, v25  }
0xa4: {  	[tilespmem:s28+$0xFFFFFFE0] =	vst v10;
	v4 =	vmul.f32 v12, v4  }
0xa5: {  	v5 =	vmul.f32 v12, v5;
	[tilespmem:s28+$0xFFFFFFF0] =	vst v9  }
0xa6: {  	[tilespmem:s28+$0x0] =	vst v4;
	v4 =	vmul.f32 v12, v6  }
0xa7: {  	[tilespmem:s28+$0x10] =	vst v5;
	v5 =	vmul.f32 v12, v7  }
0xa8: {  	[tilespmem:s28+$0x20] =	vst v4;
	v4 =	vmul.f32 v12, v8  }
0xa9: {  	[tilespmem:s28+$0x30] =	vst v5;
	v5 =	vmul.f32 v12, v11  }
0xaa: {  	[tilespmem:s28+$0x40] =	vst v4;
	v4 =	vmul.f32 v12, v13  }
0xab: {  	[tilespmem:s28+$0x50] =	vst v5;
	v5 =	vmul.f32 v12, v18  }
0xac: {  	[tilespmem:s28+$0x60] =	vst v4  }
0xad: {  	[tilespmem:s28+$0x70] =	vst v5  }
0xae: {  	[hbm4b:s5+s3] =	stream.linear.scatter [tilespmem:s12], [sflag:$0x5], $0x4000, $0x38;
	[tilespmem:$0x10200] =	vst v63  }
0xaf: {  	_ =	swait.ge [sflag:s19], $0x4000  }
0xb0: {  	[sflag:s19] =	ssyncset.done $0x0  }
0xb1: {  	s28 =	simm.s32 $0x4300;
	[sflag:s19] =	ssyncadd.s32 $0xFFFFC000  }
0xb2: {  	v31 =	vld [tilespmem:s28+$0x80]  }
0xb3: {  	v32 =	vld [tilespmem:s28+$0x90]  }
0xb4: {  	v9 =	vld [tilespmem:s28+$0xFFFFFF10]  }
0xb5: {  	v33 =	vld [tilespmem:s28+$0xA0]  }
0xb6: {  	v10 =	vld [tilespmem:s28+$0xFFFFFF80]  }
0xb7: {  	v28 =	vld [tilespmem:s28+$0xB0]  }
0xb8: {  	v12 =	vld [tilespmem:s28+$0xFFFFFF90];
	v5 =	vmul.f32 v31, v31;
	v6 =	vmul.f32 v32, v32  }
0xb9: {  	v29 =	vld [tilespmem:s28+$0xC0]  }
0xba: {  	v4 =	vld [tilespmem:s28+$0x0];
	v7 =	vmul.f32 v33, v33;
	v6 =	vadd.f32 v6, v5  }
0xbb: {  	v30 =	vld [tilespmem:s28+$0xD0]  }
0xbc: {  	v34 =	vld [tilespmem:s28+$0xE0];
	v6 =	vadd.f32 v7, v6;
	v7 =	vmul.f32 v28, v28  }
0xbd: {  	v61 =	vld [tilespmem:s28+$0xF0]  }
0xbe: {  	v15 =	vld [tilespmem:s28+$0xFFFFFF00];
	v6 =	vadd.f32 v7, v6;
	v7 =	vmul.f32 v29, v29  }
0xbf: {  	v14 =	vld [tilespmem:s28+$0xFFFFFF20]  }
0xc0: {  	v16 =	vld [tilespmem:s28+$0xFFFFFFA0];
	v8 =	vmul.f32 v30, v30;
	v7 =	vadd.f32 v7, v6  }
0xc1: {  	v19 =	vld [tilespmem:s28+$0xFFFFFF30]  }
0xc2: {  	v17 =	vld [tilespmem:s28+$0xFFFFFFB0];
	v11 =	vmul.f32 v61, v61;
	v7 =	vadd.f32 v8, v7;
	v8 =	vmul.f32 v34, v34  }
0xc3: {  	v22 =	vld [tilespmem:s28+$0xFFFFFF40];
	v13 =	vmul.f32 v9, v9;
	v23 =	vmul.f32 v15, v15  }
0xc4: {  	v20 =	vld [tilespmem:s28+$0xFFFFFFC0];
	v18 =	vmul.f32 v10, v10;
	v21 =	vmul.f32 v12, v12;
	v8 =	vadd.f32 v8, v7  }
0xc5: {  	v26 =	vmul.f32 v14, v14;
	v5 =	vld [tilespmem:s28+$0x10];
	v13 =	vadd.f32 v13, v23  }
0xc6: {  	v27 =	vmul.f32 v16, v16;
	v18 =	vadd.f32 v21, v18;
	v23 =	vld [tilespmem:s28+$0xFFFFFF50];
	v11 =	vadd.f32 v11, v8  }
0xc7: {  	v13 =	vadd.f32 v26, v13;
	v6 =	vld [tilespmem:s28+$0x20]  }
0xc8: {  	v18 =	vadd.f32 v27, v18;
	v27 =	vmul.f32 v17, v17;
	v26 =	vld [tilespmem:s28+$0xFFFFFF60];
	v25 =	vperm.xlane v11, v0  }
0xc9: {  	v24 =	vmul.f32 v4, v4;
	v7 =	vld [tilespmem:s28+$0x30]  }
0xca: {  	v18 =	vadd.f32 v27, v18;
	v27 =	vld [tilespmem:s28+$0xFFFFFF70];
	v21 =	vmul.f32 v5, v5;
	v25 =	vadd.f32 v11, v25  }
0xcb: {  	v37 =	vmul.f32 v19, v19;
	v40 =	vmul.f32 v22, v22;
	v8 =	vld [tilespmem:s28+$0x40]  }
0xcc: {  	v24 =	vadd.f32 v21, v24;
	v21 =	vld [tilespmem:s28+$0xFFFFFFD0];
	v62 =	vmul.f32 v6, v6;
	v38 =	vperm.xlane v25, v1  }
0xcd: {  	v41 =	vmul.f32 v20, v20;
	v37 =	vadd.f32 v37, v13;
	v45 =	vmul.f32 v23, v23;
	v11 =	vld [tilespmem:s28+$0x50]  }
0xce: {  	v36 =	vadd.f32 v62, v24;
	v24 =	vld [tilespmem:s28+$0xFFFFFFE0];
	v39 =	vmul.f32 v7, v7;
	v38 =	vadd.f32 v25, v38  }
0xcf: {  	v13 =	vld [tilespmem:s28+$0x60];
	v37 =	vadd.f32 v40, v37;
	v41 =	vadd.f32 v41, v18;
	v47 =	vmul.f32 v26, v26  }
0xd0: {  	v36 =	vadd.f32 v39, v36;
	v63 =	vmul.f32 v8, v8;
	v25 =	vld [tilespmem:s28+$0xFFFFFFF0];
	v42 =	vperm.xlane v38, v2  }
0xd1: {  	v18 =	vld [tilespmem:s28+$0x70];
	v37 =	vadd.f32 v45, v37;
	v51 =	vmul.f32 v27, v27;
	v43 =	vmul.f32 v21, v21  }
0xd2: {  	v36 =	vadd.f32 v63, v36;
	v46 =	vmul.f32 v11, v11;
	v38 =	vadd.f32 v38, v42  }
0xd3: {  	v37 =	vadd.f32 v47, v37;
	v41 =	vadd.f32 v43, v41;
	v48 =	vmul.f32 v24, v24  }
0xd4: {  	v49 =	vmul.f32 v13, v13;
	v36 =	vadd.f32 v46, v36;
	v50 =	vperm.xlane v38, v3  }
0xd5: {  	v37 =	vadd.f32 v51, v37;
	v41 =	vadd.f32 v48, v41;
	v52 =	vmul.f32 v25, v25  }
0xd6: {  	v53 =	vmul.f32 v18, v18;
	v36 =	vadd.f32 v49, v36;
	v38 =	vadd.f32 v38, v50  }
0xd7: {  	v56 =	vperm.xlane v37, v0;
	v54 =	vadd.f32 v52, v41  }
0xd8: {  	v36 =	vadd.f32 v53, v36;
	v55 =	vshrl.u32 v38, $0x1;
	v38 =	vmul.f32 $5.000000000e-01, v38  }
0xd9: {  	v42 =	vperm.xlane v54, v0;
	v39 =	vsub.s32 $0x5F3759DF, v55  }
0xda: {  	v37 =	vadd.f32 v37, v56;
	v57 =	vperm.xlane v36, v0;
	v38 =	vmul.f32 v39, v38  }
0xdb: {  	v40 =	vadd.f32 v54, v42  }
0xdc: {  	v41 =	vperm.xlane v37, v1;
	v36 =	vadd.f32 v36, v57;
	v38 =	vmul.f32 v39, v38  }
0xdd: {  	v42 =	vperm.xlane v40, v1  }
0xde: {  	v37 =	vadd.f32 v37, v41;
	v43 =	vperm.xlane v36, v1;
	v38 =	vsub.f32 $1.500000000e+00, v38  }
0xdf: {  	v40 =	vadd.f32 v40, v42  }
0xe0: {  	v58 =	vperm.xlane v37, v2;
	v36 =	vadd.f32 v36, v43;
	v38 =	vmul.f32 v39, v38  }
0xe1: {  	v59 =	vperm.xlane v40, v2  }
0xe2: {  	v37 =	vadd.f32 v37, v58;
	v60 =	vperm.xlane v36, v2;
	v35 =	vmul.f32 v38, v61  }
0xe3: {  	v61 =	vadd.f32 v40, v59;
	v31 =	vmul.f32 v38, v31  }
0xe4: {  	v63 =	vperm.xlane v37, v3;
	v62 =	vadd.f32 v36, v60;
	v32 =	vmul.f32 v38, v32;
	[tilespmem:s28+$0xF0] =	vst v35  }
0xe5: {  	v33 =	vmul.f32 v38, v33;
	v41 =	vperm.xlane v61, v3;
	[tilespmem:s28+$0x80] =	vst v31  }
0xe6: {  	v28 =	vmul.f32 v38, v28;
	v31 =	vperm.xlane v62, v3;
	[tilespmem:s28+$0x90] =	vst v32  }
0xe7: {  	v36 =	vadd.f32 v37, v63;
	v29 =	vmul.f32 v38, v29;
	[tilespmem:s28+$0xA0] =	vst v33;
	v35 =	vadd.f32 v61, v41  }
0xe8: {  	s29 =	simm.s32 $0x0;
	s30 =	simm.s32 $0x4500;
	[tilespmem:s28+$0xB0] =	vst v28;
	v32 =	vmul.f32 v38, v30;
	v30 =	vmul.f32 v38, v34;
	v31 =	vadd.f32 v62, v31  }
.LBB2_4:
0xe9: {  	v28 =	vld [tilespmem:s30+$0x80];
	v33 =	vshrl.u32 v36, $0x1;
	v34 =	vmul.f32 $5.000000000e-01, v36;
	v36 =	vshrl.u32 v35, $0x1;
	[tilespmem:s28+$0xC0] =	vst v29  }
0xea: {  	s29 =	sadd.s32 $0x4, s29;
	v35 =	vmul.f32 $5.000000000e-01, v35;
	v29 =	vld [tilespmem:s30+$0x90];
	v37 =	vshrl.u32 v31, $0x1;
	v38 =	vmul.f32 $5.000000000e-01, v31;
	[tilespmem:s28+$0xD0] =	vst v32  }
0xeb: {  	p0 =	slt.u32 s29, $0x7C;
	v39 =	vsub.s32 $0x5F3759DF, v33;
	v36 =	vsub.s32 $0x5F3759DF, v36;
	v40 =	vld [tilespmem:s30+$0xFFFFFF10];
	v41 =	vsub.s32 $0x5F3759DF, v37;
	[tilespmem:s28+$0xE0] =	vst v30  }
0xec: {  	v32 =	vmul.f32 v39, v34;
	v33 =	vmul.f32 v36, v35;
	v31 =	vld [tilespmem:s30+$0xA0]  }
0xed: {  	v34 =	vmul.f32 v41, v38;
	v42 =	vld [tilespmem:s30+$0xFFFFFF80]  }
0xee: {  	v35 =	vmul.f32 v39, v32;
	v33 =	vmul.f32 v36, v33;
	v30 =	vld [tilespmem:s30+$0xB0]  }
0xef: {  	v38 =	vmul.f32 v28, v28;
	v43 =	vld [tilespmem:s30+$0xFFFFFF90];
	v44 =	vmul.f32 v29, v29  }
0xf0: {  	v34 =	vmul.f32 v41, v34;
	v35 =	vsub.f32 $1.500000000e+00, v35;
	v45 =	vmul.f32 v40, v40;
	v32 =	vld [tilespmem:s30+$0xC0]  }
0xf1: {  	v47 =	vsub.f32 $1.500000000e+00, v33;
	v37 =	vld [tilespmem:s30+$0x0];
	v44 =	vadd.f32 v44, v38;
	v46 =	vmul.f32 v31, v31  }
0xf2: {  	v49 =	vmul.f32 v39, v35;
	v35 =	vsub.f32 $1.500000000e+00, v34;
	v48 =	vmul.f32 v42, v42;
	v33 =	vld [tilespmem:s30+$0xD0]  }
0xf3: {  	v39 =	vmul.f32 v36, v47;
	v38 =	vld [tilespmem:s30+$0x10];
	v44 =	vadd.f32 v46, v44;
	v46 =	vmul.f32 v30, v30  }
0xf4: {  	v35 =	vmul.f32 v41, v35;
	v36 =	vmul.f32 v43, v43;
	v34 =	vld [tilespmem:s30+$0xE0]  }
0xf5: {  	v41 =	vadd.f32 v46, v44;
	v44 =	vmul.f32 v32, v32;
	v46 =	vmul.f32 v49, v15;
	v15 =	vld [tilespmem:s30+$0xFFFFFF00]  }
0xf6: {  	v50 =	vmul.f32 v49, v9;
	v9 =	vmovc v40;
	v47 =	vadd.f32 v36, v48;
	v48 =	vmul.f32 v37, v37;
	v36 =	vld [tilespmem:s30+$0xF0]  }
0xf7: {  	v41 =	vadd.f32 v44, v41;
	v44 =	vmul.f32 v33, v33;
	[tilespmem:s28+$0xFFFFFF00] =	vst v46;
	v46 =	vmul.f32 v49, v14;
	v14 =	vld [tilespmem:s30+$0xFFFFFF20]  }
0xf8: {  	v51 =	vld [tilespmem:s30+$0xFFFFFFA0];
	v52 =	vmul.f32 v38, v38;
	[tilespmem:s28+$0xFFFFFF10] =	vst v50;
	v50 =	vmul.f32 v49, v19  }
0xf9: {  	v22 =	vmul.f32 v49, v22;
	v40 =	vld [tilespmem:s30+$0x20];
	v41 =	vadd.f32 v44, v41;
	v44 =	vmul.f32 v34, v34;
	[tilespmem:s28+$0xFFFFFF20] =	vst v46  }
0xfa: {  	v23 =	vmul.f32 v49, v23;
	v46 =	vmul.f32 v15, v15;
	v19 =	vld [tilespmem:s30+$0xFFFFFF30];
	v48 =	vadd.f32 v52, v48;
	[tilespmem:s28+$0xFFFFFF30] =	vst v50  }
0xfb: {  	v26 =	vmul.f32 v49, v26;
	v50 =	vld [tilespmem:s30+$0xFFFFFFB0];
	v41 =	vadd.f32 v44, v41;
	v44 =	vmul.f32 v36, v36;
	[tilespmem:s28+$0xFFFFFF40] =	vst v22  }
0xfc: {  	v45 =	vadd.f32 v45, v46;
	v46 =	vmul.f32 v14, v14;
	v52 =	vld [tilespmem:s30+$0x30];
	[tilespmem:s28+$0xFFFFFF50] =	vst v23;
	v23 =	vmul.f32 v49, v27  }
0xfd: {  	v10 =	vmul.f32 v39, v10;
	v22 =	vld [tilespmem:s30+$0xFFFFFF40];
	v27 =	vmul.f32 v51, v51;
	v41 =	vadd.f32 v44, v41;
	[tilespmem:s28+$0xFFFFFF60] =	vst v26  }
0xfe: {  	v12 =	vmul.f32 v39, v12;
	v26 =	vadd.f32 v46, v45;
	v44 =	vld [tilespmem:s30+$0xFFFFFFC0];
	v45 =	vmul.f32 v40, v40;
	[tilespmem:s28+$0xFFFFFF70] =	vst v23  }
0xff: {  	v46 =	vmul.f32 v19, v19;
	v27 =	vadd.f32 v27, v47;
	v47 =	vld [tilespmem:s30+$0x40];
	v49 =	vperm.xlane v41, v0;
	[tilespmem:s28+$0xFFFFFF80] =	vst v10  }
0x100: {  	v54 =	vmul.f32 v39, v16;
	v23 =	vld [tilespmem:s30+$0xFFFFFF50];
	v53 =	vmul.f32 v50, v50;
	v45 =	vadd.f32 v45, v48;
	[tilespmem:s28+$0xFFFFFF90] =	vst v12  }
0x101: {  	v10 =	vmovc v42;
	v16 =	vadd.f32 v46, v26;
	v46 =	vld [tilespmem:s30+$0xFFFFFFD0];
	v48 =	vmul.f32 v52, v52;
	v41 =	vadd.f32 v41, v49  }
0x102: {  	v17 =	vmul.f32 v39, v17;
	v42 =	vmul.f32 v22, v22;
	v27 =	vadd.f32 v53, v27;
	v49 =	vld [tilespmem:s30+$0x50];
	[tilespmem:s28+$0xFFFFFFA0] =	vst v54  }
0x103: {  	v12 =	vmovc v43;
	v26 =	vld [tilespmem:s30+$0xFFFFFF60];
	v53 =	vmul.f32 v44, v44;
	v45 =	vadd.f32 v48, v45;
	v48 =	vperm.xlane v41, v1  }
0x104: {  	v56 =	vmul.f32 v39, v20;
	v42 =	vadd.f32 v42, v16;
	v43 =	vld [tilespmem:s30+$0xFFFFFFE0];
	v54 =	vmul.f32 v47, v47;
	[tilespmem:s28+$0xFFFFFFB0] =	vst v17  }
0x105: {  	v20 =	vmul.f32 v23, v23;
	v53 =	vadd.f32 v53, v27;
	v55 =	vld [tilespmem:s30+$0x60];
	v41 =	vadd.f32 v41, v48;
	v16 =	vmovc v51  }
0x106: {  	v21 =	vmul.f32 v39, v21;
	v27 =	vld [tilespmem:s30+$0xFFFFFF70];
	v48 =	vmul.f32 v46, v46;
	v45 =	vadd.f32 v54, v45;
	[tilespmem:s28+$0xFFFFFFC0] =	vst v56  }
0x107: {  	v17 =	vmovc v50;
	v42 =	vadd.f32 v20, v42;
	v51 =	vld [tilespmem:s30+$0xFFFFFFF0];
	v56 =	vmul.f32 v49, v49;
	v54 =	vperm.xlane v41, v2  }
0x108: {  	v57 =	vmul.f32 v39, v24;
	v50 =	vmul.f32 v26, v26;
	v48 =	vadd.f32 v48, v53;
	v53 =	vld [tilespmem:s30+$0x70];
	[tilespmem:s28+$0xFFFFFFD0] =	vst v21  }
0x109: {  	v24 =	vmul.f32 v43, v43;
	v45 =	vadd.f32 v56, v45;
	v41 =	vadd.f32 v41, v54;
	v20 =	vmovc v44  }
0x10a: {  	v25 =	vmul.f32 v39, v25;
	v42 =	vadd.f32 v50, v42;
	v44 =	vmul.f32 v55, v55;
	[tilespmem:s28+$0xFFFFFFE0] =	vst v57  }
0x10b: {  	v21 =	vmovc v46;
	v39 =	vmul.f32 v27, v27;
	v24 =	vadd.f32 v24, v48;
	v48 =	vperm.xlane v41, v3  }
0x10c: {  	v46 =	vmul.f32 v51, v51;
	v44 =	vadd.f32 v44, v45;
	[tilespmem:s28+$0xFFFFFFF0] =	vst v25;
	v25 =	vmul.f32 v35, v4  }
0x10d: {  	v4 =	vmovc v37;
	v39 =	vadd.f32 v39, v42;
	v42 =	vmul.f32 v53, v53;
	v41 =	vadd.f32 v41, v48  }
0x10e: {  	v45 =	vmul.f32 v35, v5;
	v37 =	vadd.f32 v46, v24;
	[tilespmem:s28+$0x0] =	vst v25;
	v46 =	vmul.f32 v35, v6  }
0x10f: {  	v5 =	vmovc v38;
	v6 =	vmovc v40;
	v42 =	vadd.f32 v42, v44;
	v44 =	vshrl.u32 v41, $0x1;
	v41 =	vmul.f32 $5.000000000e-01, v41  }
0x110: {  	v38 =	vperm.xlane v39, v0;
	v24 =	vmovc v43;
	v40 =	vperm.xlane v37, v0;
	v44 =	vsub.s32 $0x5F3759DF, v44;
	[tilespmem:s28+$0x10] =	vst v45  }
0x111: {  	v25 =	vmov v51;
	v43 =	vperm.xlane v42, v0;
	v41 =	vmul.f32 v44, v41;
	[tilespmem:s28+$0x20] =	vst v46  }
0x112: {  	v38 =	vadd.f32 v39, v38;
	v39 =	vmul.f32 v35, v7;
	v7 =	vmovc v52;
	v37 =	vadd.f32 v37, v40  }
0x113: {  	v40 =	vadd.f32 v42, v43;
	v41 =	vmul.f32 v44, v41;
	v42 =	vmul.f32 v35, v8;
	v8 =	vmovc v47  }
0x114: {  	v43 =	vperm.xlane v38, v1;
	v45 =	vperm.xlane v37, v1;
	[tilespmem:s28+$0x30] =	vst v39  }
0x115: {  	v39 =	vperm.xlane v40, v1;
	v41 =	vsub.f32 $1.500000000e+00, v41;
	[tilespmem:s28+$0x40] =	vst v42;
	v42 =	vmul.f32 v35, v11;
	v11 =	vmovc v49  }
0x116: {  	v38 =	vadd.f32 v38, v43;
	v43 =	vmul.f32 v35, v13;
	v13 =	vmovc v55;
	v37 =	vadd.f32 v37, v45  }
0x117: {  	v35 =	vmul.f32 v35, v18;
	v39 =	vadd.f32 v40, v39;
	v40 =	vmul.f32 v44, v41;
	[tilespmem:s28+$0x50] =	vst v42  }
0x118: {  	v18 =	vmov v53;
	v41 =	vperm.xlane v38, v2;
	v42 =	vperm.xlane v37, v2;
	[tilespmem:s28+$0x60] =	vst v43  }
0x119: {  	v43 =	vperm.xlane v39, v2;
	v36 =	vmul.f32 v40, v36;
	[tilespmem:s28+$0x70] =	vst v35;
	s28 =	smov.u32 s30  }
0x11a: {  	v35 =	vadd.f32 v38, v41;
	v28 =	vmul.f32 v40, v28;
	v37 =	vadd.f32 v37, v42  }
.Ltmp1:
0x11b: {  	v29 =	vmul.f32 v40, v29;
	v31 =	vmul.f32 v40, v31;
	v38 =	vadd.f32 v39, v43;
	[tilespmem:s30+$0xF0] =	vst v36;
	(pc) =	sbr.rel @p0 .LBB2_4-.Ltmp1, $4  }
0x11c: {  	v36 =	vperm.xlane v35, v3;
	v39 =	vperm.xlane v37, v3;
	[tilespmem:s30+$0x80] =	vst v28  }
0x11d: {  	v30 =	vmul.f32 v40, v30;
	v28 =	vperm.xlane v38, v3;
	[tilespmem:s30+$0x90] =	vst v29  }
0x11e: {  	v36 =	vadd.f32 v35, v36;
	v29 =	vmul.f32 v40, v32;
	v35 =	vadd.f32 v37, v39;
	[tilespmem:s30+$0xA0] =	vst v31  }
0x11f: {  	v32 =	vmul.f32 v40, v33;
	s30 =	sadd.s32 $0x200, s30;
	v31 =	vadd.f32 v38, v28;
	[tilespmem:s28+$0xB0] =	vst v30;
	v30 =	vmul.f32 v40, v34  }
0x120: {  	v28 =	vshrl.u32 v36, $0x1;
	v33 =	vmul.f32 $5.000000000e-01, v36  }
0x121: {  	v28 =	vsub.s32 $0x5F3759DF, v28  }
0x122: {  	v33 =	vmul.f32 v28, v33;
	_ =	sdelay $0x1  }
0x123: {  	v33 =	vmul.f32 v28, v33;
	_ =	sdelay $0x1  }
0x124: {  	v33 =	vsub.f32 $1.500000000e+00, v33;
	_ =	sdelay $0x1  }
0x125: {  	v34 =	vshrl.u32 v35, $0x1;
	v59 =	vmul.f32 $5.000000000e-01, v35;
	v28 =	vmul.f32 v28, v33  }
0x126: {  	[tilespmem:s28+$0xC0] =	vst v29;
	v29 =	vsub.s32 $0x5F3759DF, v34  }
0x127: {  	[tilespmem:s28+$0xD0] =	vst v32;
	v60 =	vmul.f32 v29, v59;
	v15 =	vmul.f32 v28, v15  }
0x128: {  	[tilespmem:s28+$0xE0] =	vst v30;
	v9 =	vmul.f32 v28, v9  }
0x129: {  	v30 =	vmul.f32 v29, v60;
	v14 =	vmul.f32 v28, v14;
	[tilespmem:s28+$0xFFFFFF00] =	vst v15  }
0x12a: {  	[tilespmem:s28+$0xFFFFFF10] =	vst v9;
	v9 =	vmul.f32 v28, v19  }
0x12b: {  	v15 =	vsub.f32 $1.500000000e+00, v30;
	[tilespmem:s28+$0xFFFFFF20] =	vst v14;
	v14 =	vmul.f32 v28, v22  }
0x12c: {  	v19 =	vmul.f32 $5.000000000e-01, v31;
	[tilespmem:s28+$0xFFFFFF30] =	vst v9;
	v9 =	vmul.f32 v28, v23  }
0x12d: {  	v22 =	vshrl.u32 v31, $0x1;
	v15 =	vmul.f32 v29, v15;
	[tilespmem:s28+$0xFFFFFF40] =	vst v14;
	v14 =	vmul.f32 v28, v26  }
0x12e: {  	v22 =	vsub.s32 $0x5F3759DF, v22;
	[tilespmem:s28+$0xFFFFFF50] =	vst v9;
	v9 =	vmul.f32 v28, v27  }
0x12f: {  	v19 =	vmul.f32 v22, v19;
	[tilespmem:s28+$0xFFFFFF60] =	vst v14;
	v10 =	vmul.f32 v15, v10  }
0x130: {  	[tilespmem:s28+$0xFFFFFF70] =	vst v9;
	v9 =	vmul.f32 v15, v12  }
0x131: {  	v12 =	vmul.f32 v22, v19;
	[tilespmem:s28+$0xFFFFFF80] =	vst v10;
	v10 =	vmul.f32 v15, v16  }
0x132: {  	[tilespmem:s28+$0xFFFFFF90] =	vst v9;
	v9 =	vmul.f32 v15, v17  }
0x133: {  	v12 =	vsub.f32 $1.500000000e+00, v12;
	[tilespmem:s28+$0xFFFFFFA0] =	vst v10;
	v10 =	vmul.f32 v15, v20  }
0x134: {  	[tilespmem:s28+$0xFFFFFFB0] =	vst v9;
	v9 =	vmul.f32 v15, v21  }
0x135: {  	v12 =	vmul.f32 v22, v12;
	[tilespmem:s28+$0xFFFFFFC0] =	vst v10;
	v10 =	vmul.f32 v15, v24  }
0x136: {  	[tilespmem:s28+$0xFFFFFFD0] =	vst v9;
	v9 =	vmul.f32 v15, v25  }
0x137: {  	[tilespmem:s28+$0xFFFFFFE0] =	vst v10;
	v4 =	vmul.f32 v12, v4  }
0x138: {  	v5 =	vmul.f32 v12, v5;
	[tilespmem:s28+$0xFFFFFFF0] =	vst v9  }
0x139: {  	[tilespmem:s28+$0x0] =	vst v4;
	v4 =	vmul.f32 v12, v6  }
0x13a: {  	[tilespmem:s28+$0x10] =	vst v5;
	v5 =	vmul.f32 v12, v7  }
0x13b: {  	[tilespmem:s28+$0x20] =	vst v4;
	v4 =	vmul.f32 v12, v8  }
0x13c: {  	[tilespmem:s28+$0x30] =	vst v5;
	v5 =	vmul.f32 v12, v11  }
0x13d: {  	[tilespmem:s28+$0x40] =	vst v4;
	v4 =	vmul.f32 v12, v13  }
0x13e: {  	[tilespmem:s28+$0x50] =	vst v5;
	v5 =	vmul.f32 v12, v18  }
0x13f: {  	[tilespmem:s28+$0x60] =	vst v4  }
0x140: {  	[tilespmem:s28+$0x70] =	vst v5  }
0x141: {  	[hbm4b:s6+s3] =	stream.linear.scatter [tilespmem:s13], [sflag:$0x6], $0x4000, $0x38;
	[tilespmem:$0x10200] =	vst v63  }
0x142: {  	_ =	swait.ge [sflag:s20], $0x4000  }
0x143: {  	[sflag:s20] =	ssyncset.done $0x0  }
0x144: {  	s28 =	simm.s32 $0x8300;
	[sflag:s20] =	ssyncadd.s32 $0xFFFFC000  }
0x145: {  	v31 =	vld [tilespmem:s28+$0x80]  }
0x146: {  	v32 =	vld [tilespmem:s28+$0x90]  }
0x147: {  	v9 =	vld [tilespmem:s28+$0xFFFFFF10]  }
0x148: {  	v33 =	vld [tilespmem:s28+$0xA0]  }
0x149: {  	v10 =	vld [tilespmem:s28+$0xFFFFFF80]  }
0x14a: {  	v28 =	vld [tilespmem:s28+$0xB0]  }
0x14b: {  	v12 =	vld [tilespmem:s28+$0xFFFFFF90];
	v5 =	vmul.f32 v31, v31;
	v6 =	vmul.f32 v32, v32  }
0x14c: {  	v29 =	vld [tilespmem:s28+$0xC0]  }
0x14d: {  	v4 =	vld [tilespmem:s28+$0x0];
	v7 =	vmul.f32 v33, v33;
	v6 =	vadd.f32 v6, v5  }
0x14e: {  	v30 =	vld [tilespmem:s28+$0xD0]  }
0x14f: {  	v34 =	vld [tilespmem:s28+$0xE0];
	v6 =	vadd.f32 v7, v6;
	v7 =	vmul.f32 v28, v28  }
0x150: {  	v61 =	vld [tilespmem:s28+$0xF0]  }
0x151: {  	v15 =	vld [tilespmem:s28+$0xFFFFFF00];
	v6 =	vadd.f32 v7, v6;
	v7 =	vmul.f32 v29, v29  }
0x152: {  	v14 =	vld [tilespmem:s28+$0xFFFFFF20]  }
0x153: {  	v16 =	vld [tilespmem:s28+$0xFFFFFFA0];
	v8 =	vmul.f32 v30, v30;
	v7 =	vadd.f32 v7, v6  }
0x154: {  	v19 =	vld [tilespmem:s28+$0xFFFFFF30]  }
0x155: {  	v17 =	vld [tilespmem:s28+$0xFFFFFFB0];
	v11 =	vmul.f32 v61, v61;
	v7 =	vadd.f32 v8, v7;
	v8 =	vmul.f32 v34, v34  }
0x156: {  	v22 =	vld [tilespmem:s28+$0xFFFFFF40];
	v13 =	vmul.f32 v9, v9;
	v23 =	vmul.f32 v15, v15  }
0x157: {  	v20 =	vld [tilespmem:s28+$0xFFFFFFC0];
	v18 =	vmul.f32 v10, v10;
	v21 =	vmul.f32 v12, v12;
	v8 =	vadd.f32 v8, v7  }
0x158: {  	v26 =	vmul.f32 v14, v14;
	v5 =	vld [tilespmem:s28+$0x10];
	v13 =	vadd.f32 v13, v23  }
0x159: {  	v27 =	vmul.f32 v16, v16;
	v18 =	vadd.f32 v21, v18;
	v23 =	vld [tilespmem:s28+$0xFFFFFF50];
	v11 =	vadd.f32 v11, v8  }
0x15a: {  	v13 =	vadd.f32 v26, v13;
	v6 =	vld [tilespmem:s28+$0x20]  }
0x15b: {  	v18 =	vadd.f32 v27, v18;
	v27 =	vmul.f32 v17, v17;
	v26 =	vld [tilespmem:s28+$0xFFFFFF60];
	v25 =	vperm.xlane v11, v0  }
0x15c: {  	v24 =	vmul.f32 v4, v4;
	v7 =	vld [tilespmem:s28+$0x30]  }
0x15d: {  	v18 =	vadd.f32 v27, v18;
	v27 =	vld [tilespmem:s28+$0xFFFFFF70];
	v21 =	vmul.f32 v5, v5;
	v25 =	vadd.f32 v11, v25  }
0x15e: {  	v37 =	vmul.f32 v19, v19;
	v40 =	vmul.f32 v22, v22;
	v8 =	vld [tilespmem:s28+$0x40]  }
0x15f: {  	v24 =	vadd.f32 v21, v24;
	v21 =	vld [tilespmem:s28+$0xFFFFFFD0];
	v62 =	vmul.f32 v6, v6;
	v38 =	vperm.xlane v25, v1  }
0x160: {  	v41 =	vmul.f32 v20, v20;
	v37 =	vadd.f32 v37, v13;
	v45 =	vmul.f32 v23, v23;
	v11 =	vld [tilespmem:s28+$0x50]  }
0x161: {  	v36 =	vadd.f32 v62, v24;
	v24 =	vld [tilespmem:s28+$0xFFFFFFE0];
	v39 =	vmul.f32 v7, v7;
	v38 =	vadd.f32 v25, v38  }
0x162: {  	v13 =	vld [tilespmem:s28+$0x60];
	v37 =	vadd.f32 v40, v37;
	v41 =	vadd.f32 v41, v18;
	v47 =	vmul.f32 v26, v26  }
0x163: {  	v36 =	vadd.f32 v39, v36;
	v63 =	vmul.f32 v8, v8;
	v25 =	vld [tilespmem:s28+$0xFFFFFFF0];
	v42 =	vperm.xlane v38, v2  }
0x164: {  	v18 =	vld [tilespmem:s28+$0x70];
	v37 =	vadd.f32 v45, v37;
	v51 =	vmul.f32 v27, v27;
	v43 =	vmul.f32 v21, v21  }
0x165: {  	v36 =	vadd.f32 v63, v36;
	v46 =	vmul.f32 v11, v11;
	v38 =	vadd.f32 v38, v42  }
0x166: {  	v37 =	vadd.f32 v47, v37;
	v41 =	vadd.f32 v43, v41;
	v48 =	vmul.f32 v24, v24  }
0x167: {  	v49 =	vmul.f32 v13, v13;
	v36 =	vadd.f32 v46, v36;
	v50 =	vperm.xlane v38, v3  }
0x168: {  	v37 =	vadd.f32 v51, v37;
	v41 =	vadd.f32 v48, v41;
	v52 =	vmul.f32 v25, v25  }
0x169: {  	v53 =	vmul.f32 v18, v18;
	v36 =	vadd.f32 v49, v36;
	v38 =	vadd.f32 v38, v50  }
0x16a: {  	v56 =	vperm.xlane v37, v0;
	v54 =	vadd.f32 v52, v41  }
0x16b: {  	v36 =	vadd.f32 v53, v36;
	v55 =	vshrl.u32 v38, $0x1;
	v38 =	vmul.f32 $5.000000000e-01, v38  }
0x16c: {  	v42 =	vperm.xlane v54, v0;
	v39 =	vsub.s32 $0x5F3759DF, v55  }
0x16d: {  	v37 =	vadd.f32 v37, v56;
	v57 =	vperm.xlane v36, v0;
	v38 =	vmul.f32 v39, v38  }
0x16e: {  	v40 =	vadd.f32 v54, v42  }
0x16f: {  	v41 =	vperm.xlane v37, v1;
	v36 =	vadd.f32 v36, v57;
	v38 =	vmul.f32 v39, v38  }
0x170: {  	v42 =	vperm.xlane v40, v1  }
0x171: {  	v37 =	vadd.f32 v37, v41;
	v43 =	vperm.xlane v36, v1;
	v38 =	vsub.f32 $1.500000000e+00, v38  }
0x172: {  	v40 =	vadd.f32 v40, v42  }
0x173: {  	v58 =	vperm.xlane v37, v2;
	v36 =	vadd.f32 v36, v43;
	v38 =	vmul.f32 v39, v38  }
0x174: {  	v59 =	vperm.xlane v40, v2  }
0x175: {  	v37 =	vadd.f32 v37, v58;
	v60 =	vperm.xlane v36, v2;
	v35 =	vmul.f32 v38, v61  }
0x176: {  	v61 =	vadd.f32 v40, v59;
	v31 =	vmul.f32 v38, v31  }
0x177: {  	v63 =	vperm.xlane v37, v3;
	v62 =	vadd.f32 v36, v60;
	v32 =	vmul.f32 v38, v32;
	[tilespmem:s28+$0xF0] =	vst v35  }
0x178: {  	v33 =	vmul.f32 v38, v33;
	v41 =	vperm.xlane v61, v3;
	[tilespmem:s28+$0x80] =	vst v31  }
0x179: {  	v28 =	vmul.f32 v38, v28;
	v31 =	vperm.xlane v62, v3;
	[tilespmem:s28+$0x90] =	vst v32  }
0x17a: {  	v36 =	vadd.f32 v37, v63;
	v29 =	vmul.f32 v38, v29;
	[tilespmem:s28+$0xA0] =	vst v33;
	v35 =	vadd.f32 v61, v41  }
0x17b: {  	s29 =	simm.s32 $0x0;
	s30 =	simm.s32 $0x8500;
	[tilespmem:s28+$0xB0] =	vst v28;
	v32 =	vmul.f32 v38, v30;
	v30 =	vmul.f32 v38, v34;
	v31 =	vadd.f32 v62, v31  }
.LBB2_6:
0x17c: {  	v28 =	vld [tilespmem:s30+$0x80];
	v33 =	vshrl.u32 v36, $0x1;
	v34 =	vmul.f32 $5.000000000e-01, v36;
	v36 =	vshrl.u32 v35, $0x1;
	[tilespmem:s28+$0xC0] =	vst v29  }
0x17d: {  	s29 =	sadd.s32 $0x4, s29;
	v35 =	vmul.f32 $5.000000000e-01, v35;
	v29 =	vld [tilespmem:s30+$0x90];
	v37 =	vshrl.u32 v31, $0x1;
	v38 =	vmul.f32 $5.000000000e-01, v31;
	[tilespmem:s28+$0xD0] =	vst v32  }
0x17e: {  	p0 =	slt.u32 s29, $0x7C;
	v39 =	vsub.s32 $0x5F3759DF, v33;
	v36 =	vsub.s32 $0x5F3759DF, v36;
	v40 =	vld [tilespmem:s30+$0xFFFFFF10];
	v41 =	vsub.s32 $0x5F3759DF, v37;
	[tilespmem:s28+$0xE0] =	vst v30  }
0x17f: {  	v32 =	vmul.f32 v39, v34;
	v33 =	vmul.f32 v36, v35;
	v31 =	vld [tilespmem:s30+$0xA0]  }
0x180: {  	v34 =	vmul.f32 v41, v38;
	v42 =	vld [tilespmem:s30+$0xFFFFFF80]  }
0x181: {  	v35 =	vmul.f32 v39, v32;
	v33 =	vmul.f32 v36, v33;
	v30 =	vld [tilespmem:s30+$0xB0]  }
0x182: {  	v38 =	vmul.f32 v28, v28;
	v43 =	vld [tilespmem:s30+$0xFFFFFF90];
	v44 =	vmul.f32 v29, v29  }
0x183: {  	v34 =	vmul.f32 v41, v34;
	v35 =	vsub.f32 $1.500000000e+00, v35;
	v45 =	vmul.f32 v40, v40;
	v32 =	vld [tilespmem:s30+$0xC0]  }
0x184: {  	v47 =	vsub.f32 $1.500000000e+00, v33;
	v37 =	vld [tilespmem:s30+$0x0];
	v44 =	vadd.f32 v44, v38;
	v46 =	vmul.f32 v31, v31  }
0x185: {  	v49 =	vmul.f32 v39, v35;
	v35 =	vsub.f32 $1.500000000e+00, v34;
	v48 =	vmul.f32 v42, v42;
	v33 =	vld [tilespmem:s30+$0xD0]  }
0x186: {  	v39 =	vmul.f32 v36, v47;
	v38 =	vld [tilespmem:s30+$0x10];
	v44 =	vadd.f32 v46, v44;
	v46 =	vmul.f32 v30, v30  }
0x187: {  	v35 =	vmul.f32 v41, v35;
	v36 =	vmul.f32 v43, v43;
	v34 =	vld [tilespmem:s30+$0xE0]  }
0x188: {  	v41 =	vadd.f32 v46, v44;
	v44 =	vmul.f32 v32, v32;
	v46 =	vmul.f32 v49, v15;
	v15 =	vld [tilespmem:s30+$0xFFFFFF00]  }
0x189: {  	v50 =	vmul.f32 v49, v9;
	v9 =	vmovc v40;
	v47 =	vadd.f32 v36, v48;
	v48 =	vmul.f32 v37, v37;
	v36 =	vld [tilespmem:s30+$0xF0]  }
0x18a: {  	v41 =	vadd.f32 v44, v41;
	v44 =	vmul.f32 v33, v33;
	[tilespmem:s28+$0xFFFFFF00] =	vst v46;
	v46 =	vmul.f32 v49, v14;
	v14 =	vld [tilespmem:s30+$0xFFFFFF20]  }
0x18b: {  	v51 =	vld [tilespmem:s30+$0xFFFFFFA0];
	v52 =	vmul.f32 v38, v38;
	[tilespmem:s28+$0xFFFFFF10] =	vst v50;
	v50 =	vmul.f32 v49, v19  }
0x18c: {  	v22 =	vmul.f32 v49, v22;
	v40 =	vld [tilespmem:s30+$0x20];
	v41 =	vadd.f32 v44, v41;
	v44 =	vmul.f32 v34, v34;
	[tilespmem:s28+$0xFFFFFF20] =	vst v46  }
0x18d: {  	v23 =	vmul.f32 v49, v23;
	v46 =	vmul.f32 v15, v15;
	v19 =	vld [tilespmem:s30+$0xFFFFFF30];
	v48 =	vadd.f32 v52, v48;
	[tilespmem:s28+$0xFFFFFF30] =	vst v50  }
0x18e: {  	v26 =	vmul.f32 v49, v26;
	v50 =	vld [tilespmem:s30+$0xFFFFFFB0];
	v41 =	vadd.f32 v44, v41;
	v44 =	vmul.f32 v36, v36;
	[tilespmem:s28+$0xFFFFFF40] =	vst v22  }
0x18f: {  	v45 =	vadd.f32 v45, v46;
	v46 =	vmul.f32 v14, v14;
	v52 =	vld [tilespmem:s30+$0x30];
	[tilespmem:s28+$0xFFFFFF50] =	vst v23;
	v23 =	vmul.f32 v49, v27  }
0x190: {  	v10 =	vmul.f32 v39, v10;
	v22 =	vld [tilespmem:s30+$0xFFFFFF40];
	v27 =	vmul.f32 v51, v51;
	v41 =	vadd.f32 v44, v41;
	[tilespmem:s28+$0xFFFFFF60] =	vst v26  }
0x191: {  	v12 =	vmul.f32 v39, v12;
	v26 =	vadd.f32 v46, v45;
	v44 =	vld [tilespmem:s30+$0xFFFFFFC0];
	v45 =	vmul.f32 v40, v40;
	[tilespmem:s28+$0xFFFFFF70] =	vst v23  }
0x192: {  	v46 =	vmul.f32 v19, v19;
	v27 =	vadd.f32 v27, v47;
	v47 =	vld [tilespmem:s30+$0x40];
	v49 =	vperm.xlane v41, v0;
	[tilespmem:s28+$0xFFFFFF80] =	vst v10  }
0x193: {  	v54 =	vmul.f32 v39, v16;
	v23 =	vld [tilespmem:s30+$0xFFFFFF50];
	v53 =	vmul.f32 v50, v50;
	v45 =	vadd.f32 v45, v48;
	[tilespmem:s28+$0xFFFFFF90] =	vst v12  }
0x194: {  	v10 =	vmovc v42;
	v16 =	vadd.f32 v46, v26;
	v46 =	vld [tilespmem:s30+$0xFFFFFFD0];
	v48 =	vmul.f32 v52, v52;
	v41 =	vadd.f32 v41, v49  }
0x195: {  	v17 =	vmul.f32 v39, v17;
	v42 =	vmul.f32 v22, v22;
	v27 =	vadd.f32 v53, v27;
	v49 =	vld [tilespmem:s30+$0x50];
	[tilespmem:s28+$0xFFFFFFA0] =	vst v54  }
0x196: {  	v12 =	vmovc v43;
	v26 =	vld [tilespmem:s30+$0xFFFFFF60];
	v53 =	vmul.f32 v44, v44;
	v45 =	vadd.f32 v48, v45;
	v48 =	vperm.xlane v41, v1  }
0x197: {  	v56 =	vmul.f32 v39, v20;
	v42 =	vadd.f32 v42, v16;
	v43 =	vld [tilespmem:s30+$0xFFFFFFE0];
	v54 =	vmul.f32 v47, v47;
	[tilespmem:s28+$0xFFFFFFB0] =	vst v17  }
0x198: {  	v20 =	vmul.f32 v23, v23;
	v53 =	vadd.f32 v53, v27;
	v55 =	vld [tilespmem:s30+$0x60];
	v41 =	vadd.f32 v41, v48;
	v16 =	vmovc v51  }
0x199: {  	v21 =	vmul.f32 v39, v21;
	v27 =	vld [tilespmem:s30+$0xFFFFFF70];
	v48 =	vmul.f32 v46, v46;
	v45 =	vadd.f32 v54, v45;
	[tilespmem:s28+$0xFFFFFFC0] =	vst v56  }
0x19a: {  	v17 =	vmovc v50;
	v42 =	vadd.f32 v20, v42;
	v51 =	vld [tilespmem:s30+$0xFFFFFFF0];
	v56 =	vmul.f32 v49, v49;
	v54 =	vperm.xlane v41, v2  }
0x19b: {  	v57 =	vmul.f32 v39, v24;
	v50 =	vmul.f32 v26, v26;
	v48 =	vadd.f32 v48, v53;
	v53 =	vld [tilespmem:s30+$0x70];
	[tilespmem:s28+$0xFFFFFFD0] =	vst v21  }
0x19c: {  	v24 =	vmul.f32 v43, v43;
	v45 =	vadd.f32 v56, v45;
	v41 =	vadd.f32 v41, v54;
	v20 =	vmovc v44  }
0x19d: {  	v25 =	vmul.f32 v39, v25;
	v42 =	vadd.f32 v50, v42;
	v44 =	vmul.f32 v55, v55;
	[tilespmem:s28+$0xFFFFFFE0] =	vst v57  }
0x19e: {  	v21 =	vmovc v46;
	v39 =	vmul.f32 v27, v27;
	v24 =	vadd.f32 v24, v48;
	v48 =	vperm.xlane v41, v3  }
0x19f: {  	v46 =	vmul.f32 v51, v51;
	v44 =	vadd.f32 v44, v45;
	[tilespmem:s28+$0xFFFFFFF0] =	vst v25;
	v25 =	vmul.f32 v35, v4  }
0x1a0: {  	v4 =	vmovc v37;
	v39 =	vadd.f32 v39, v42;
	v42 =	vmul.f32 v53, v53;
	v41 =	vadd.f32 v41, v48  }
0x1a1: {  	v45 =	vmul.f32 v35, v5;
	v37 =	vadd.f32 v46, v24;
	[tilespmem:s28+$0x0] =	vst v25;
	v46 =	vmul.f32 v35, v6  }
0x1a2: {  	v5 =	vmovc v38;
	v6 =	vmovc v40;
	v42 =	vadd.f32 v42, v44;
	v44 =	vshrl.u32 v41, $0x1;
	v41 =	vmul.f32 $5.000000000e-01, v41  }
0x1a3: {  	v38 =	vperm.xlane v39, v0;
	v24 =	vmovc v43;
	v40 =	vperm.xlane v37, v0;
	v44 =	vsub.s32 $0x5F3759DF, v44;
	[tilespmem:s28+$0x10] =	vst v45  }
0x1a4: {  	v25 =	vmov v51;
	v43 =	vperm.xlane v42, v0;
	v41 =	vmul.f32 v44, v41;
	[tilespmem:s28+$0x20] =	vst v46  }
0x1a5: {  	v38 =	vadd.f32 v39, v38;
	v39 =	vmul.f32 v35, v7;
	v7 =	vmovc v52;
	v37 =	vadd.f32 v37, v40  }
0x1a6: {  	v40 =	vadd.f32 v42, v43;
	v41 =	vmul.f32 v44, v41;
	v42 =	vmul.f32 v35, v8;
	v8 =	vmovc v47  }
0x1a7: {  	v43 =	vperm.xlane v38, v1;
	v45 =	vperm.xlane v37, v1;
	[tilespmem:s28+$0x30] =	vst v39  }
0x1a8: {  	v39 =	vperm.xlane v40, v1;
	v41 =	vsub.f32 $1.500000000e+00, v41;
	[tilespmem:s28+$0x40] =	vst v42;
	v42 =	vmul.f32 v35, v11;
	v11 =	vmovc v49  }
0x1a9: {  	v38 =	vadd.f32 v38, v43;
	v43 =	vmul.f32 v35, v13;
	v13 =	vmovc v55;
	v37 =	vadd.f32 v37, v45  }
0x1aa: {  	v35 =	vmul.f32 v35, v18;
	v39 =	vadd.f32 v40, v39;
	v40 =	vmul.f32 v44, v41;
	[tilespmem:s28+$0x50] =	vst v42  }
0x1ab: {  	v18 =	vmov v53;
	v41 =	vperm.xlane v38, v2;
	v42 =	vperm.xlane v37, v2;
	[tilespmem:s28+$0x60] =	vst v43  }
0x1ac: {  	v43 =	vperm.xlane v39, v2;
	v36 =	vmul.f32 v40, v36;
	[tilespmem:s28+$0x70] =	vst v35;
	s28 =	smov.u32 s30  }
0x1ad: {  	v35 =	vadd.f32 v38, v41;
	v28 =	vmul.f32 v40, v28;
	v37 =	vadd.f32 v37, v42  }
.Ltmp2:
0x1ae: {  	v29 =	vmul.f32 v40, v29;
	v31 =	vmul.f32 v40, v31;
	v38 =	vadd.f32 v39, v43;
	[tilespmem:s30+$0xF0] =	vst v36;
	(pc) =	sbr.rel @p0 .LBB2_6-.Ltmp2, $4  }
0x1af: {  	v36 =	vperm.xlane v35, v3;
	v39 =	vperm.xlane v37, v3;
	[tilespmem:s30+$0x80] =	vst v28  }
0x1b0: {  	v30 =	vmul.f32 v40, v30;
	v28 =	vperm.xlane v38, v3;
	[tilespmem:s30+$0x90] =	vst v29  }
0x1b1: {  	v36 =	vadd.f32 v35, v36;
	v29 =	vmul.f32 v40, v32;
	v35 =	vadd.f32 v37, v39;
	[tilespmem:s30+$0xA0] =	vst v31  }
0x1b2: {  	v32 =	vmul.f32 v40, v33;
	s30 =	sadd.s32 $0x200, s30;
	v31 =	vadd.f32 v38, v28;
	[tilespmem:s28+$0xB0] =	vst v30;
	v30 =	vmul.f32 v40, v34  }
0x1b3: {  	v28 =	vshrl.u32 v36, $0x1;
	v33 =	vmul.f32 $5.000000000e-01, v36  }
0x1b4: {  	v28 =	vsub.s32 $0x5F3759DF, v28  }
0x1b5: {  	v33 =	vmul.f32 v28, v33;
	_ =	sdelay $0x1  }
0x1b6: {  	v33 =	vmul.f32 v28, v33;
	_ =	sdelay $0x1  }
0x1b7: {  	v33 =	vsub.f32 $1.500000000e+00, v33;
	_ =	sdelay $0x1  }
0x1b8: {  	v34 =	vshrl.u32 v35, $0x1;
	v59 =	vmul.f32 $5.000000000e-01, v35;
	v28 =	vmul.f32 v28, v33  }
0x1b9: {  	[tilespmem:s28+$0xC0] =	vst v29;
	v29 =	vsub.s32 $0x5F3759DF, v34  }
0x1ba: {  	[tilespmem:s28+$0xD0] =	vst v32;
	v60 =	vmul.f32 v29, v59;
	v15 =	vmul.f32 v28, v15  }
0x1bb: {  	[tilespmem:s28+$0xE0] =	vst v30;
	v9 =	vmul.f32 v28, v9  }
0x1bc: {  	v30 =	vmul.f32 v29, v60;
	v14 =	vmul.f32 v28, v14;
	[tilespmem:s28+$0xFFFFFF00] =	vst v15  }
0x1bd: {  	[tilespmem:s28+$0xFFFFFF10] =	vst v9;
	v9 =	vmul.f32 v28, v19  }
0x1be: {  	v15 =	vsub.f32 $1.500000000e+00, v30;
	[tilespmem:s28+$0xFFFFFF20] =	vst v14;
	v14 =	vmul.f32 v28, v22  }
0x1bf: {  	v19 =	vmul.f32 $5.000000000e-01, v31;
	[tilespmem:s28+$0xFFFFFF30] =	vst v9;
	v9 =	vmul.f32 v28, v23  }
0x1c0: {  	v22 =	vshrl.u32 v31, $0x1;
	v15 =	vmul.f32 v29, v15;
	[tilespmem:s28+$0xFFFFFF40] =	vst v14;
	v14 =	vmul.f32 v28, v26  }
0x1c1: {  	v22 =	vsub.s32 $0x5F3759DF, v22;
	[tilespmem:s28+$0xFFFFFF50] =	vst v9;
	v9 =	vmul.f32 v28, v27  }
0x1c2: {  	v19 =	vmul.f32 v22, v19;
	[tilespmem:s28+$0xFFFFFF60] =	vst v14;
	v10 =	vmul.f32 v15, v10  }
0x1c3: {  	[tilespmem:s28+$0xFFFFFF70] =	vst v9;
	v9 =	vmul.f32 v15, v12  }
0x1c4: {  	v12 =	vmul.f32 v22, v19;
	[tilespmem:s28+$0xFFFFFF80] =	vst v10;
	v10 =	vmul.f32 v15, v16  }
0x1c5: {  	[tilespmem:s28+$0xFFFFFF90] =	vst v9;
	v9 =	vmul.f32 v15, v17  }
0x1c6: {  	v12 =	vsub.f32 $1.500000000e+00, v12;
	[tilespmem:s28+$0xFFFFFFA0] =	vst v10;
	v10 =	vmul.f32 v15, v20  }
0x1c7: {  	[tilespmem:s28+$0xFFFFFFB0] =	vst v9;
	v9 =	vmul.f32 v15, v21  }
0x1c8: {  	v12 =	vmul.f32 v22, v12;
	[tilespmem:s28+$0xFFFFFFC0] =	vst v10;
	v10 =	vmul.f32 v15, v24  }
0x1c9: {  	[tilespmem:s28+$0xFFFFFFD0] =	vst v9;
	v9 =	vmul.f32 v15, v25  }
0x1ca: {  	[tilespmem:s28+$0xFFFFFFE0] =	vst v10;
	v4 =	vmul.f32 v12, v4  }
0x1cb: {  	v5 =	vmul.f32 v12, v5;
	[tilespmem:s28+$0xFFFFFFF0] =	vst v9  }
0x1cc: {  	[tilespmem:s28+$0x0] =	vst v4;
	v4 =	vmul.f32 v12, v6  }
0x1cd: {  	[tilespmem:s28+$0x10] =	vst v5;
	v5 =	vmul.f32 v12, v7  }
0x1ce: {  	[tilespmem:s28+$0x20] =	vst v4;
	v4 =	vmul.f32 v12, v8  }
0x1cf: {  	[tilespmem:s28+$0x30] =	vst v5;
	v5 =	vmul.f32 v12, v11  }
0x1d0: {  	[tilespmem:s28+$0x40] =	vst v4;
	v4 =	vmul.f32 v12, v13  }
0x1d1: {  	[tilespmem:s28+$0x50] =	vst v5;
	v5 =	vmul.f32 v12, v18  }
0x1d2: {  	[tilespmem:s28+$0x60] =	vst v4  }
0x1d3: {  	[tilespmem:s28+$0x70] =	vst v5  }
0x1d4: {  	[hbm4b:s7+s3] =	stream.linear.scatter [tilespmem:s15], [sflag:$0x7], $0x4000, $0x38;
	[tilespmem:$0x10200] =	vst v63  }
0x1d5: {  	_ =	swait.ge [sflag:s21], $0x4000  }
0x1d6: {  	[sflag:s21] =	ssyncset.done $0x0  }
0x1d7: {  	s28 =	simm.s32 $0xC300;
	[sflag:s21] =	ssyncadd.s32 $0xFFFFC000  }
0x1d8: {  	v31 =	vld [tilespmem:s28+$0x80]  }
0x1d9: {  	v32 =	vld [tilespmem:s28+$0x90]  }
0x1da: {  	v9 =	vld [tilespmem:s28+$0xFFFFFF10]  }
0x1db: {  	v33 =	vld [tilespmem:s28+$0xA0]  }
0x1dc: {  	v10 =	vld [tilespmem:s28+$0xFFFFFF80]  }
0x1dd: {  	v28 =	vld [tilespmem:s28+$0xB0]  }
0x1de: {  	v12 =	vld [tilespmem:s28+$0xFFFFFF90];
	v5 =	vmul.f32 v31, v31;
	v6 =	vmul.f32 v32, v32  }
0x1df: {  	v29 =	vld [tilespmem:s28+$0xC0]  }
0x1e0: {  	v4 =	vld [tilespmem:s28+$0x0];
	v7 =	vmul.f32 v33, v33;
	v6 =	vadd.f32 v6, v5  }
0x1e1: {  	v30 =	vld [tilespmem:s28+$0xD0]  }
0x1e2: {  	v34 =	vld [tilespmem:s28+$0xE0];
	v6 =	vadd.f32 v7, v6;
	v7 =	vmul.f32 v28, v28  }
0x1e3: {  	v61 =	vld [tilespmem:s28+$0xF0]  }
0x1e4: {  	v15 =	vld [tilespmem:s28+$0xFFFFFF00];
	v6 =	vadd.f32 v7, v6;
	v7 =	vmul.f32 v29, v29  }
0x1e5: {  	v14 =	vld [tilespmem:s28+$0xFFFFFF20]  }
0x1e6: {  	v16 =	vld [tilespmem:s28+$0xFFFFFFA0];
	v8 =	vmul.f32 v30, v30;
	v7 =	vadd.f32 v7, v6  }
0x1e7: {  	v19 =	vld [tilespmem:s28+$0xFFFFFF30]  }
0x1e8: {  	v17 =	vld [tilespmem:s28+$0xFFFFFFB0];
	v11 =	vmul.f32 v61, v61;
	v7 =	vadd.f32 v8, v7;
	v8 =	vmul.f32 v34, v34  }
0x1e9: {  	v22 =	vld [tilespmem:s28+$0xFFFFFF40];
	v13 =	vmul.f32 v9, v9;
	v23 =	vmul.f32 v15, v15  }
0x1ea: {  	v20 =	vld [tilespmem:s28+$0xFFFFFFC0];
	v18 =	vmul.f32 v10, v10;
	v21 =	vmul.f32 v12, v12;
	v8 =	vadd.f32 v8, v7  }
0x1eb: {  	v26 =	vmul.f32 v14, v14;
	v5 =	vld [tilespmem:s28+$0x10];
	v13 =	vadd.f32 v13, v23  }
0x1ec: {  	v27 =	vmul.f32 v16, v16;
	v18 =	vadd.f32 v21, v18;
	v23 =	vld [tilespmem:s28+$0xFFFFFF50];
	v11 =	vadd.f32 v11, v8  }
0x1ed: {  	v13 =	vadd.f32 v26, v13;
	v6 =	vld [tilespmem:s28+$0x20]  }
0x1ee: {  	v18 =	vadd.f32 v27, v18;
	v27 =	vmul.f32 v17, v17;
	v26 =	vld [tilespmem:s28+$0xFFFFFF60];
	v25 =	vperm.xlane v11, v0  }
0x1ef: {  	v24 =	vmul.f32 v4, v4;
	v7 =	vld [tilespmem:s28+$0x30]  }
0x1f0: {  	v18 =	vadd.f32 v27, v18;
	v27 =	vld [tilespmem:s28+$0xFFFFFF70];
	v21 =	vmul.f32 v5, v5;
	v25 =	vadd.f32 v11, v25  }
0x1f1: {  	v37 =	vmul.f32 v19, v19;
	v40 =	vmul.f32 v22, v22;
	v8 =	vld [tilespmem:s28+$0x40]  }
0x1f2: {  	v24 =	vadd.f32 v21, v24;
	v21 =	vld [tilespmem:s28+$0xFFFFFFD0];
	v62 =	vmul.f32 v6, v6;
	v38 =	vperm.xlane v25, v1  }
0x1f3: {  	v41 =	vmul.f32 v20, v20;
	v37 =	vadd.f32 v37, v13;
	v45 =	vmul.f32 v23, v23;
	v11 =	vld [tilespmem:s28+$0x50]  }
0x1f4: {  	v36 =	vadd.f32 v62, v24;
	v24 =	vld [tilespmem:s28+$0xFFFFFFE0];
	v39 =	vmul.f32 v7, v7;
	v38 =	vadd.f32 v25, v38  }
0x1f5: {  	v13 =	vld [tilespmem:s28+$0x60];
	v37 =	vadd.f32 v40, v37;
	v41 =	vadd.f32 v41, v18;
	v47 =	vmul.f32 v26, v26  }
0x1f6: {  	v36 =	vadd.f32 v39, v36;
	v63 =	vmul.f32 v8, v8;
	v25 =	vld [tilespmem:s28+$0xFFFFFFF0];
	v42 =	vperm.xlane v38, v2  }
0x1f7: {  	v18 =	vld [tilespmem:s28+$0x70];
	v37 =	vadd.f32 v45, v37;
	v51 =	vmul.f32 v27, v27;
	v43 =	vmul.f32 v21, v21  }
0x1f8: {  	v36 =	vadd.f32 v63, v36;
	v46 =	vmul.f32 v11, v11;
	v38 =	vadd.f32 v38, v42  }
0x1f9: {  	v37 =	vadd.f32 v47, v37;
	v41 =	vadd.f32 v43, v41;
	v48 =	vmul.f32 v24, v24  }
0x1fa: {  	v49 =	vmul.f32 v13, v13;
	v36 =	vadd.f32 v46, v36;
	v50 =	vperm.xlane v38, v3  }
0x1fb: {  	v37 =	vadd.f32 v51, v37;
	v41 =	vadd.f32 v48, v41;
	v52 =	vmul.f32 v25, v25  }
0x1fc: {  	v53 =	vmul.f32 v18, v18;
	v36 =	vadd.f32 v49, v36;
	v38 =	vadd.f32 v38, v50  }
0x1fd: {  	v56 =	vperm.xlane v37, v0;
	v54 =	vadd.f32 v52, v41  }
0x1fe: {  	v36 =	vadd.f32 v53, v36;
	v55 =	vshrl.u32 v38, $0x1;
	v38 =	vmul.f32 $5.000000000e-01, v38  }
0x1ff: {  	v42 =	vperm.xlane v54, v0;
	v39 =	vsub.s32 $0x5F3759DF, v55  }
0x200: {  	v37 =	vadd.f32 v37, v56;
	v57 =	vperm.xlane v36, v0;
	v38 =	vmul.f32 v39, v38  }
0x201: {  	v40 =	vadd.f32 v54, v42  }
0x202: {  	v41 =	vperm.xlane v37, v1;
	v36 =	vadd.f32 v36, v57;
	v38 =	vmul.f32 v39, v38  }
0x203: {  	v42 =	vperm.xlane v40, v1  }
0x204: {  	v37 =	vadd.f32 v37, v41;
	v43 =	vperm.xlane v36, v1;
	v38 =	vsub.f32 $1.500000000e+00, v38  }
0x205: {  	v40 =	vadd.f32 v40, v42  }
0x206: {  	v58 =	vperm.xlane v37, v2;
	v36 =	vadd.f32 v36, v43;
	v38 =	vmul.f32 v39, v38  }
0x207: {  	v59 =	vperm.xlane v40, v2  }
0x208: {  	v37 =	vadd.f32 v37, v58;
	v60 =	vperm.xlane v36, v2;
	v35 =	vmul.f32 v38, v61  }
0x209: {  	v61 =	vadd.f32 v40, v59;
	v31 =	vmul.f32 v38, v31  }
0x20a: {  	v63 =	vperm.xlane v37, v3;
	v62 =	vadd.f32 v36, v60;
	v32 =	vmul.f32 v38, v32;
	[tilespmem:s28+$0xF0] =	vst v35  }
0x20b: {  	v33 =	vmul.f32 v38, v33;
	v41 =	vperm.xlane v61, v3;
	[tilespmem:s28+$0x80] =	vst v31  }
0x20c: {  	v28 =	vmul.f32 v38, v28;
	v31 =	vperm.xlane v62, v3;
	[tilespmem:s28+$0x90] =	vst v32  }
0x20d: {  	v36 =	vadd.f32 v37, v63;
	v29 =	vmul.f32 v38, v29;
	[tilespmem:s28+$0xA0] =	vst v33;
	v35 =	vadd.f32 v61, v41  }
0x20e: {  	s29 =	simm.s32 $0x0;
	s30 =	simm.s32 $0xC500;
	[tilespmem:s28+$0xB0] =	vst v28;
	v32 =	vmul.f32 v38, v30;
	v30 =	vmul.f32 v38, v34;
	v31 =	vadd.f32 v62, v31  }
.LBB2_8:
0x20f: {  	v28 =	vld [tilespmem:s30+$0x80];
	v33 =	vshrl.u32 v36, $0x1;
	v34 =	vmul.f32 $5.000000000e-01, v36;
	v36 =	vshrl.u32 v35, $0x1;
	[tilespmem:s28+$0xC0] =	vst v29  }
0x210: {  	s29 =	sadd.s32 $0x4, s29;
	v35 =	vmul.f32 $5.000000000e-01, v35;
	v29 =	vld [tilespmem:s30+$0x90];
	v37 =	vshrl.u32 v31, $0x1;
	v38 =	vmul.f32 $5.000000000e-01, v31;
	[tilespmem:s28+$0xD0] =	vst v32  }
0x211: {  	p0 =	slt.u32 s29, $0x7C;
	v39 =	vsub.s32 $0x5F3759DF, v33;
	v36 =	vsub.s32 $0x5F3759DF, v36;
	v40 =	vld [tilespmem:s30+$0xFFFFFF10];
	v41 =	vsub.s32 $0x5F3759DF, v37;
	[tilespmem:s28+$0xE0] =	vst v30  }
0x212: {  	v32 =	vmul.f32 v39, v34;
	v33 =	vmul.f32 v36, v35;
	v31 =	vld [tilespmem:s30+$0xA0]  }
0x213: {  	v34 =	vmul.f32 v41, v38;
	v42 =	vld [tilespmem:s30+$0xFFFFFF80]  }
0x214: {  	v35 =	vmul.f32 v39, v32;
	v33 =	vmul.f32 v36, v33;
	v30 =	vld [tilespmem:s30+$0xB0]  }
0x215: {  	v38 =	vmul.f32 v28, v28;
	v43 =	vld [tilespmem:s30+$0xFFFFFF90];
	v44 =	vmul.f32 v29, v29  }
0x216: {  	v34 =	vmul.f32 v41, v34;
	v35 =	vsub.f32 $1.500000000e+00, v35;
	v45 =	vmul.f32 v40, v40;
	v32 =	vld [tilespmem:s30+$0xC0]  }
0x217: {  	v47 =	vsub.f32 $1.500000000e+00, v33;
	v37 =	vld [tilespmem:s30+$0x0];
	v44 =	vadd.f32 v44, v38;
	v46 =	vmul.f32 v31, v31  }
0x218: {  	v49 =	vmul.f32 v39, v35;
	v35 =	vsub.f32 $1.500000000e+00, v34;
	v48 =	vmul.f32 v42, v42;
	v33 =	vld [tilespmem:s30+$0xD0]  }
0x219: {  	v39 =	vmul.f32 v36, v47;
	v38 =	vld [tilespmem:s30+$0x10];
	v44 =	vadd.f32 v46, v44;
	v46 =	vmul.f32 v30, v30  }
0x21a: {  	v35 =	vmul.f32 v41, v35;
	v36 =	vmul.f32 v43, v43;
	v34 =	vld [tilespmem:s30+$0xE0]  }
0x21b: {  	v41 =	vadd.f32 v46, v44;
	v44 =	vmul.f32 v32, v32;
	v46 =	vmul.f32 v49, v15;
	v15 =	vld [tilespmem:s30+$0xFFFFFF00]  }
0x21c: {  	v50 =	vmul.f32 v49, v9;
	v9 =	vmovc v40;
	v47 =	vadd.f32 v36, v48;
	v48 =	vmul.f32 v37, v37;
	v36 =	vld [tilespmem:s30+$0xF0]  }
0x21d: {  	v41 =	vadd.f32 v44, v41;
	v44 =	vmul.f32 v33, v33;
	[tilespmem:s28+$0xFFFFFF00] =	vst v46;
	v46 =	vmul.f32 v49, v14;
	v14 =	vld [tilespmem:s30+$0xFFFFFF20]  }
0x21e: {  	v51 =	vld [tilespmem:s30+$0xFFFFFFA0];
	v52 =	vmul.f32 v38, v38;
	[tilespmem:s28+$0xFFFFFF10] =	vst v50;
	v50 =	vmul.f32 v49, v19  }
0x21f: {  	v22 =	vmul.f32 v49, v22;
	v40 =	vld [tilespmem:s30+$0x20];
	v41 =	vadd.f32 v44, v41;
	v44 =	vmul.f32 v34, v34;
	[tilespmem:s28+$0xFFFFFF20] =	vst v46  }
0x220: {  	v23 =	vmul.f32 v49, v23;
	v46 =	vmul.f32 v15, v15;
	v19 =	vld [tilespmem:s30+$0xFFFFFF30];
	v48 =	vadd.f32 v52, v48;
	[tilespmem:s28+$0xFFFFFF30] =	vst v50  }
0x221: {  	v26 =	vmul.f32 v49, v26;
	v50 =	vld [tilespmem:s30+$0xFFFFFFB0];
	v41 =	vadd.f32 v44, v41;
	v44 =	vmul.f32 v36, v36;
	[tilespmem:s28+$0xFFFFFF40] =	vst v22  }
0x222: {  	v45 =	vadd.f32 v45, v46;
	v46 =	vmul.f32 v14, v14;
	v52 =	vld [tilespmem:s30+$0x30];
	[tilespmem:s28+$0xFFFFFF50] =	vst v23;
	v23 =	vmul.f32 v49, v27  }
0x223: {  	v10 =	vmul.f32 v39, v10;
	v22 =	vld [tilespmem:s30+$0xFFFFFF40];
	v27 =	vmul.f32 v51, v51;
	v41 =	vadd.f32 v44, v41;
	[tilespmem:s28+$0xFFFFFF60] =	vst v26  }
0x224: {  	v12 =	vmul.f32 v39, v12;
	v26 =	vadd.f32 v46, v45;
	v44 =	vld [tilespmem:s30+$0xFFFFFFC0];
	v45 =	vmul.f32 v40, v40;
	[tilespmem:s28+$0xFFFFFF70] =	vst v23  }
0x225: {  	v46 =	vmul.f32 v19, v19;
	v27 =	vadd.f32 v27, v47;
	v47 =	vld [tilespmem:s30+$0x40];
	v49 =	vperm.xlane v41, v0;
	[tilespmem:s28+$0xFFFFFF80] =	vst v10  }
0x226: {  	v54 =	vmul.f32 v39, v16;
	v23 =	vld [tilespmem:s30+$0xFFFFFF50];
	v53 =	vmul.f32 v50, v50;
	v45 =	vadd.f32 v45, v48;
	[tilespmem:s28+$0xFFFFFF90] =	vst v12  }
0x227: {  	v10 =	vmovc v42;
	v16 =	vadd.f32 v46, v26;
	v46 =	vld [tilespmem:s30+$0xFFFFFFD0];
	v48 =	vmul.f32 v52, v52;
	v41 =	vadd.f32 v41, v49  }
0x228: {  	v17 =	vmul.f32 v39, v17;
	v42 =	vmul.f32 v22, v22;
	v27 =	vadd.f32 v53, v27;
	v49 =	vld [tilespmem:s30+$0x50];
	[tilespmem:s28+$0xFFFFFFA0] =	vst v54  }
0x229: {  	v12 =	vmovc v43;
	v26 =	vld [tilespmem:s30+$0xFFFFFF60];
	v53 =	vmul.f32 v44, v44;
	v45 =	vadd.f32 v48, v45;
	v48 =	vperm.xlane v41, v1  }
0x22a: {  	v56 =	vmul.f32 v39, v20;
	v42 =	vadd.f32 v42, v16;
	v43 =	vld [tilespmem:s30+$0xFFFFFFE0];
	v54 =	vmul.f32 v47, v47;
	[tilespmem:s28+$0xFFFFFFB0] =	vst v17  }
0x22b: {  	v20 =	vmul.f32 v23, v23;
	v53 =	vadd.f32 v53, v27;
	v55 =	vld [tilespmem:s30+$0x60];
	v41 =	vadd.f32 v41, v48;
	v16 =	vmovc v51  }
0x22c: {  	v21 =	vmul.f32 v39, v21;
	v27 =	vld [tilespmem:s30+$0xFFFFFF70];
	v48 =	vmul.f32 v46, v46;
	v45 =	vadd.f32 v54, v45;
	[tilespmem:s28+$0xFFFFFFC0] =	vst v56  }
0x22d: {  	v17 =	vmovc v50;
	v42 =	vadd.f32 v20, v42;
	v51 =	vld [tilespmem:s30+$0xFFFFFFF0];
	v56 =	vmul.f32 v49, v49;
	v54 =	vperm.xlane v41, v2  }
0x22e: {  	v57 =	vmul.f32 v39, v24;
	v50 =	vmul.f32 v26, v26;
	v48 =	vadd.f32 v48, v53;
	v53 =	vld [tilespmem:s30+$0x70];
	[tilespmem:s28+$0xFFFFFFD0] =	vst v21  }
0x22f: {  	v24 =	vmul.f32 v43, v43;
	v45 =	vadd.f32 v56, v45;
	v41 =	vadd.f32 v41, v54;
	v20 =	vmovc v44  }
0x230: {  	v25 =	vmul.f32 v39, v25;
	v42 =	vadd.f32 v50, v42;
	v44 =	vmul.f32 v55, v55;
	[tilespmem:s28+$0xFFFFFFE0] =	vst v57  }
0x231: {  	v21 =	vmovc v46;
	v39 =	vmul.f32 v27, v27;
	v24 =	vadd.f32 v24, v48;
	v48 =	vperm.xlane v41, v3  }
0x232: {  	v46 =	vmul.f32 v51, v51;
	v44 =	vadd.f32 v44, v45;
	[tilespmem:s28+$0xFFFFFFF0] =	vst v25;
	v25 =	vmul.f32 v35, v4  }
0x233: {  	v4 =	vmovc v37;
	v39 =	vadd.f32 v39, v42;
	v42 =	vmul.f32 v53, v53;
	v41 =	vadd.f32 v41, v48  }
0x234: {  	v45 =	vmul.f32 v35, v5;
	v37 =	vadd.f32 v46, v24;
	[tilespmem:s28+$0x0] =	vst v25;
	v46 =	vmul.f32 v35, v6  }
0x235: {  	v5 =	vmovc v38;
	v6 =	vmovc v40;
	v42 =	vadd.f32 v42, v44;
	v44 =	vshrl.u32 v41, $0x1;
	v41 =	vmul.f32 $5.000000000e-01, v41  }
0x236: {  	v38 =	vperm.xlane v39, v0;
	v24 =	vmovc v43;
	v40 =	vperm.xlane v37, v0;
	v44 =	vsub.s32 $0x5F3759DF, v44;
	[tilespmem:s28+$0x10] =	vst v45  }
0x237: {  	v25 =	vmov v51;
	v43 =	vperm.xlane v42, v0;
	v41 =	vmul.f32 v44, v41;
	[tilespmem:s28+$0x20] =	vst v46  }
0x238: {  	v38 =	vadd.f32 v39, v38;
	v39 =	vmul.f32 v35, v7;
	v7 =	vmovc v52;
	v37 =	vadd.f32 v37, v40  }
0x239: {  	v40 =	vadd.f32 v42, v43;
	v41 =	vmul.f32 v44, v41;
	v42 =	vmul.f32 v35, v8;
	v8 =	vmovc v47  }
0x23a: {  	v43 =	vperm.xlane v38, v1;
	v45 =	vperm.xlane v37, v1;
	[tilespmem:s28+$0x30] =	vst v39  }
0x23b: {  	v39 =	vperm.xlane v40, v1;
	v41 =	vsub.f32 $1.500000000e+00, v41;
	[tilespmem:s28+$0x40] =	vst v42;
	v42 =	vmul.f32 v35, v11;
	v11 =	vmovc v49  }
0x23c: {  	v38 =	vadd.f32 v38, v43;
	v43 =	vmul.f32 v35, v13;
	v13 =	vmovc v55;
	v37 =	vadd.f32 v37, v45  }
0x23d: {  	v35 =	vmul.f32 v35, v18;
	v39 =	vadd.f32 v40, v39;
	v40 =	vmul.f32 v44, v41;
	[tilespmem:s28+$0x50] =	vst v42  }
0x23e: {  	v18 =	vmov v53;
	v41 =	vperm.xlane v38, v2;
	v42 =	vperm.xlane v37, v2;
	[tilespmem:s28+$0x60] =	vst v43  }
0x23f: {  	v43 =	vperm.xlane v39, v2;
	v36 =	vmul.f32 v40, v36;
	[tilespmem:s28+$0x70] =	vst v35;
	s28 =	smov.u32 s30  }
0x240: {  	v35 =	vadd.f32 v38, v41;
	v28 =	vmul.f32 v40, v28;
	v37 =	vadd.f32 v37, v42  }
.Ltmp3:
0x241: {  	v29 =	vmul.f32 v40, v29;
	v31 =	vmul.f32 v40, v31;
	v38 =	vadd.f32 v39, v43;
	[tilespmem:s30+$0xF0] =	vst v36;
	(pc) =	sbr.rel @p0 .LBB2_8-.Ltmp3, $4  }
0x242: {  	v36 =	vperm.xlane v35, v3;
	v39 =	vperm.xlane v37, v3;
	[tilespmem:s30+$0x80] =	vst v28  }
0x243: {  	v30 =	vmul.f32 v40, v30;
	v28 =	vperm.xlane v38, v3;
	[tilespmem:s30+$0x90] =	vst v29  }
0x244: {  	v36 =	vadd.f32 v35, v36;
	v29 =	vmul.f32 v40, v32;
	v35 =	vadd.f32 v37, v39;
	[tilespmem:s30+$0xA0] =	vst v31  }
0x245: {  	v32 =	vmul.f32 v40, v33;
	s30 =	sadd.s32 $0x200, s30;
	v31 =	vadd.f32 v38, v28;
	[tilespmem:s28+$0xB0] =	vst v30;
	v30 =	vmul.f32 v40, v34  }
0x246: {  	v28 =	vshrl.u32 v36, $0x1;
	v33 =	vmul.f32 $5.000000000e-01, v36  }
0x247: {  	v28 =	vsub.s32 $0x5F3759DF, v28  }
0x248: {  	v33 =	vmul.f32 v28, v33;
	_ =	sdelay $0x1  }
0x249: {  	v33 =	vmul.f32 v28, v33;
	_ =	sdelay $0x1  }
0x24a: {  	v33 =	vsub.f32 $1.500000000e+00, v33;
	_ =	sdelay $0x1  }
0x24b: {  	v34 =	vshrl.u32 v35, $0x1;
	v44 =	vmul.f32 $5.000000000e-01, v35;
	v28 =	vmul.f32 v28, v33  }
0x24c: {  	[tilespmem:s28+$0xC0] =	vst v29;
	v45 =	vsub.s32 $0x5F3759DF, v34  }
0x24d: {  	[tilespmem:s28+$0xD0] =	vst v32;
	v46 =	vmul.f32 v45, v44;
	v15 =	vmul.f32 v28, v15  }
0x24e: {  	[tilespmem:s28+$0xE0] =	vst v30;
	v9 =	vmul.f32 v28, v9  }
0x24f: {  	v47 =	vmul.f32 v45, v46;
	v14 =	vmul.f32 v28, v14;
	[tilespmem:s28+$0xFFFFFF00] =	vst v15  }
0x250: {  	v48 =	vmul.f32 v28, v19;
	[tilespmem:s28+$0xFFFFFF10] =	vst v9  }
0x251: {  	v49 =	vsub.f32 $1.500000000e+00, v47;
	v50 =	vmul.f32 v28, v22;
	[tilespmem:s28+$0xFFFFFF20] =	vst v14  }
0x252: {  	v51 =	vmul.f32 $5.000000000e-01, v31;
	v52 =	vmul.f32 v28, v23;
	[tilespmem:s28+$0xFFFFFF30] =	vst v48  }
0x253: {  	v53 =	vshrl.u32 v31, $0x1;
	v54 =	vmul.f32 v28, v26;
	v15 =	vmul.f32 v45, v49;
	[tilespmem:s28+$0xFFFFFF40] =	vst v50  }
0x254: {  	v22 =	vsub.s32 $0x5F3759DF, v53;
	v55 =	vmul.f32 v28, v27;
	[tilespmem:s28+$0xFFFFFF50] =	vst v52  }
0x255: {  	v19 =	vmul.f32 v22, v51;
	[tilespmem:s28+$0xFFFFFF60] =	vst v54;
	v10 =	vmul.f32 v15, v10  }
0x256: {  	[tilespmem:s28+$0xFFFFFF70] =	vst v55;
	v56 =	vmul.f32 v15, v12  }
0x257: {  	v57 =	vmul.f32 v22, v19;
	v58 =	vmul.f32 v15, v16;
	[tilespmem:s28+$0xFFFFFF80] =	vst v10  }
0x258: {  	v59 =	vmul.f32 v15, v17;
	[tilespmem:s28+$0xFFFFFF90] =	vst v56  }
0x259: {  	v60 =	vmul.f32 v15, v20;
	v12 =	vsub.f32 $1.500000000e+00, v57;
	[tilespmem:s28+$0xFFFFFFA0] =	vst v58  }
0x25a: {  	v61 =	vmul.f32 v15, v21;
	[tilespmem:s28+$0xFFFFFFB0] =	vst v59  }
0x25b: {  	v62 =	vmul.f32 v15, v24;
	[tilespmem:s28+$0xFFFFFFC0] =	vst v60;
	v12 =	vmul.f32 v22, v12  }
0x25c: {  	v63 =	vmul.f32 v15, v25;
	[tilespmem:s28+$0xFFFFFFD0] =	vst v61  }
0x25d: {  	[tilespmem:s28+$0xFFFFFFE0] =	vst v62;
	v4 =	vmul.f32 v12, v4  }
0x25e: {  	[tilespmem:s28+$0xFFFFFFF0] =	vst v63;
	v5 =	vmul.f32 v12, v5  }
0x25f: {  	[tilespmem:s28+$0x0] =	vst v4;
	v4 =	vmul.f32 v12, v6  }
0x260: {  	[tilespmem:s28+$0x10] =	vst v5;
	v5 =	vmul.f32 v12, v7  }
0x261: {  	[tilespmem:s28+$0x20] =	vst v4;
	v4 =	vmul.f32 v12, v8  }
0x262: {  	[tilespmem:s28+$0x30] =	vst v5;
	v5 =	vmul.f32 v12, v11  }
0x263: {  	[tilespmem:s28+$0x40] =	vst v4;
	v4 =	vmul.f32 v12, v13  }
0x264: {  	[tilespmem:s28+$0x50] =	vst v5;
	v5 =	vmul.f32 v12, v18  }
0x265: {  	[tilespmem:s28+$0x60] =	vst v4  }
0x266: {  	[tilespmem:s28+$0x70] =	vst v5  }
0x267: {  	[hbm4b:s8+s3] =	stream.linear.scatter [tilespmem:s17], [sflag:$0x8], $0x4000, $0x38;
	[tilespmem:$0x10200] =	vst v63  }
0x268: {  	_ =	swait.ge [sflag:s22], $0x4000  }
0x269: {  	[sflag:s22] =	ssyncset.done $0x0  }
0x26a: {  	[sflag:s22] =	ssyncadd.s32 $0xFFFFC000  }
0x26b: {  	_ =	swait.ge [sflag:s23], $0x4000  }
0x26c: {  	[sflag:s23] =	ssyncset.done $0x0  }
0x26d: {  	s26 =	sadd.s32 $0x1, s26;
	[sflag:s23] =	ssyncadd.s32 $0xFFFFC000  }
0x26e: {  	p0 =	sne.s32 s26, s9;
	_ =	swait.ge [sflag:s24], $0x4000  }
.Ltmp4:
0x26f: {  	[sflag:s24] =	ssyncset.done $0x0;
	(pc) =	sbr.rel @p0 .LBB2_1-.Ltmp4, $4  }
0x270: {  	[sflag:s24] =	ssyncadd.s32 $0xFFFFC000  }
0x271: {  	_ =	swait.ge [sflag:s25], $0x4000  }
0x272: {  	[sflag:s25] =	ssyncset.done $0x0  }
0x273: {  	[sflag:s25] =	ssyncadd.s32 $0xFFFFC000  }
0x274: {  	_ =	sfence.sel $0x180000  }
0x275: {  	[bflag:$0x0] =	sbarrier.arrive $0xFFFF  }
0x276: {  	p0 =	sne.s32 s2, $0x0;
	_ =	strace $0x90000047  }
0x277: {  	s0 =	sadd.s32 @!p0 $0x100000, s0;
	[bflag:$0x2] =	sbarrier.arrive $0xFFFF  }
0x278: {  	[sflag:s0] =	ssyncadd.tile.s32 @!p0 $0x1;
	_ =	shalt  }
.Lfunc_end2:
_tile_overlayer_lowered:
.L_overlay_start_2:
0x279: {  	(tag) =	ssettag $0x2  }
0x27a: {  	s0 =	rddreg [dreg:$0x0];
	s2 =	stileid.u32  }
0x27b: {  	s1 =	rddreg [dreg:$0x1];
	p0 =	sne.s32 s2, $0x0  }
0x27c: {  	s3 =	rddreg [dreg:$0x2];
	[bflag:$0x3] =	sbarrier.arrive $0xFFFF;
	s2 =	simm.s32 @!p0 $0x1C09  }
0x27d: {  	[timem:s3], [sflag:s2] =	dma.local @!p0 [hbm:s0], s1  }
0x27e: {  	s0 =	simm.s32 @!p0 $0x9  }
0x27f: {  	_ =	swait.ge @!p0 [sflag:s0], s1  }
0x280: {  	s1 =	ssub.s32 @!p0 $0x0, s1;
	[sflag:s0] =	ssyncset.done @!p0 $0x0  }
0x281: {  	[sflag:s0] =	ssyncadd.s32 @!p0 s1  }
0x282: {  	[bflag:$0x3] =	sbarrier.arrive $0xFFFF  }
0x283: {  	_ =	shalt  }

</sc_bundles>
